<compile_context>
chip_gen: v7x
topology: tpu7x:2x2x1
jax: 0.10.2.dev20260603
libtpu: 0.0.44.dev20260713+nightly
codegen_flags: <defaults>
</compile_context>

<pallas_src>
import functools

import jax
import jax.numpy as jnp
from jax import lax
from jax.experimental import pallas as pl
from jax.experimental.pallas import tpu as pltpu
from jax.experimental.pallas import tpu_sc as plsc

B = 4
S = 4096
D = 1024
PAD = 1
NC = 2
NS = 16
L = 16
NW = NC * NS
JW = S // NW
C = 32
NCH = JW // C

_mesh = plsc.VectorSubcoreMesh(core_axis_name="c", subcore_axis_name="s")


@functools.partial(
    pl.kernel,
    out_type=jax.ShapeDtypeStruct((B, S, D), jnp.float32),
    mesh=_mesh,
    compiler_params=pltpu.CompilerParams(needs_layout_passes=False),
    scratch_types=[
        pltpu.VMEM((B, JW), jnp.int32),
        pltpu.VMEM((JW,), jnp.int32),
        pltpu.VMEM((3, C, D), jnp.float32),
        pltpu.VMEM((8, D), jnp.float32),
        pltpu.VMEM((L, D), jnp.float32),
        pltpu.SemaphoreType.DMA,
        pltpu.SemaphoreType.DMA,
        pltpu.SemaphoreType.DMA,
        pltpu.SemaphoreType.DMA,
        pltpu.SemaphoreType.DMA,
    ],
)
def _sinus_embed(x_hbm, w_hbm, idx_hbm, out_hbm, xbuf, idxvm, wbuf, padbuf,
                 tbuf, rsem, wsem0, wsem1, wsem2, ssem):
    wid = lax.axis_index("s") * NC + lax.axis_index("c")
    j0 = wid * JW
    wsems = (wsem0, wsem1, wsem2)

    idx_desc = pltpu.async_copy(idx_hbm.at[pl.ds(j0, JW)], idxvm, rsem)
    x_desc = pltpu.async_copy(x_hbm.at[:, pl.ds(j0, JW)], xbuf, ssem)
    pad_desc = pltpu.async_copy(w_hbm.at[pl.ds(0, 8)], padbuf, ssem)
    idx_desc.wait()

    lane = lax.broadcasted_iota(jnp.int32, (L,), 0)
    gpb = JW // L

    read_descs = [None] * NCH
    write_descs = [None] * NCH
    read_descs[0] = pltpu.async_copy(
        w_hbm.at[idxvm.at[pl.ds(0, C)]], wbuf.at[0], rsem
    )

    for c in range(NCH):
        buf = c % 3
        read_descs[c].wait()
        if c + 1 < NCH:
            if c >= 2:
                for d in write_descs[c - 2]:
                    d.wait()
                write_descs[c - 2] = None
            read_descs[c + 1] = pltpu.async_copy(
                w_hbm.at[idxvm.at[pl.ds((c + 1) * C, C)]], wbuf.at[(c + 1) % 3], rsem
            )
        jc = j0 + c * C
        write_descs[c] = [
            pltpu.async_copy(
                wbuf.at[buf], out_hbm.at[b, pl.ds(jc, C)], wsems[buf]
            )
            for b in range(B)
        ]
        if c == 0:
            x_desc.wait()

            def scan_body(i, acc):
                b = i // gpb
                xv = xbuf[b, pl.ds((i - b * gpb) * L, L)]
                return acc + jnp.where(xv == PAD, 1, 0).astype(jnp.int32)

            hpad = jnp.sum(
                lax.fori_loop(0, B * gpb, scan_body,
                              jnp.zeros((L,), jnp.int32))
            )

    for descs in write_descs:
        if descs is not None:
            for d in descs:
                d.wait()
    pad_desc.wait()

    @pl.when(hpad != 0)
    def _fixup():
        def group_body(i, _):
            b = i // gpb
            g = i - b * gpb
            jg = j0 + g * L
            xv = xbuf[b, pl.ds(g * L, L)]
            padv = jnp.where(xv == PAD, 1, 0).astype(jnp.int32)
            npad = jnp.sum(padv)

            @pl.when(npad != 0)
            def _fix():
                pltpu.sync_copy(out_hbm.at[b, pl.ds(jg, L)], tbuf)

                def row_body(r, _):
                    is_pad = jnp.sum(jnp.where(lane == r, padv, 0))

                    @pl.when(is_pad != 0)
                    def _patch():
                        def d_body(dd, _):
                            tbuf[r, pl.ds(dd * L, L)] = padbuf[PAD, pl.ds(dd * L, L)]
                            return 0

                        lax.fori_loop(0, D // L, d_body, 0)

                    return 0

                lax.fori_loop(0, L, row_body, 0)
                pltpu.sync_copy(tbuf, out_hbm.at[b, pl.ds(jg, L)])

            return 0

        lax.fori_loop(0, B * gpb, group_body, 0)


def kernel(X, weights):
    idx = jnp.arange(2, S + 2, dtype=jnp.int32)
    return _sinus_embed(X, weights, idx)

# --- scband reference (transcript-rebuilt; emitter-appended) ---
"""Pipeline reference for scband-sinusoidal-positional-embedding-17300128268508 (READ-ONLY COPY).

The authoritative reference and input builder live on the scoring server;
editing this copy changes nothing except your own understanding.
"""

import math
import jax
import jax.numpy as jnp
import numpy as np

B = 4
S = 4096
EMBED_DIM = 1024
PADDING_IDX = 1
VOCAB = 50000
INIT_SIZE = 4098  # module adds +1 internally -> 4099 rows


def get_embedding(n_embeds, embed_dim, padding_idx=None):
    max_ts = 10000.0
    min_ts = 1.0
    n_timescales = embed_dim // 2
    increment = math.log(max_ts / min_ts) / (n_timescales - 1)
    timescales = jnp.arange(n_timescales, dtype=jnp.float32)
    inv_timescales = min_ts * jnp.exp(timescales * -increment)
    positions = jnp.arange(n_embeds, dtype=jnp.float32)[:, None]
    scaled_time = positions * inv_timescales[None, :]
    sin_signal = jnp.sin(scaled_time)
    cos_signal = jnp.cos(scaled_time)
    signal = jnp.concatenate([sin_signal, cos_signal], axis=1)
    if embed_dim % 2 == 1:
        signal = jnp.concatenate([signal, jnp.zeros((n_embeds, 1), jnp.float32)], axis=1)
    if padding_idx is not None:
        signal = signal.at[padding_idx, :].set(0.0)
    return signal


def setup_inputs(seed: int = 0) -> dict:
    key = jax.random.key(seed)
    X = jax.random.randint(key, (B, S), 0, VOCAB, dtype=jnp.int32)
    weights = get_embedding(INIT_SIZE + 1, EMBED_DIM, PADDING_IDX)
    return {"X": X, "weights": weights}


def reference(X, weights):
    # make_positions with left_pad=False:
    # non-padding tokens get positions padding_idx+1 .. padding_idx+seq_len,
    # padding tokens keep value padding_idx.
    bsz, seq_len = X.shape
    mask = X != PADDING_IDX
    range_buf = jnp.arange(PADDING_IDX + 1, PADDING_IDX + 1 + seq_len, dtype=X.dtype)
    positions = jnp.where(mask, range_buf[None, :], PADDING_IDX)
    # start_pos = 0 (no incremental state) -> positions unchanged
    embeds = jnp.take(weights, positions.reshape(-1), axis=0)
    embeds = embeds.reshape(bsz, seq_len, -1)
    # original returns embeds.detach()
    return jax.lax.stop_gradient(embeds)

if __name__ == "__main__":
    import jax
    _d = setup_inputs()
    print(jax.jit(kernel)(*tuple(_d.values())))

</pallas_src>

<mosaic_0001>
#map = affine_map<(d0, d1) -> (0, 0)>
#map1 = affine_map<(d0, d1) -> (0)>
#map2 = affine_map<(d0, d1) -> (0, 0, 0)>
module attributes {stable_mosaic.version = 14 : i64} {
  func.func @_sinus_embed(%arg0: i32, %arg1: i32, %arg2: memref<4x4096xi32, #tpu.memory_space<hbm>>, %arg3: memref<4099x1024xf32, #tpu.memory_space<hbm>>, %arg4: memref<4096xi32, #tpu.memory_space<hbm>>, %arg5: memref<4x4096x1024xf32, #tpu.memory_space<hbm>>, %arg6: memref<4x128xi32, #tpu.memory_space<vmem>>, %arg7: memref<128xi32, #tpu.memory_space<vmem>>, %arg8: memref<3x32x1024xf32, #tpu.memory_space<vmem>>, %arg9: memref<8x1024xf32, #tpu.memory_space<vmem>>, %arg10: memref<16x1024xf32, #tpu.memory_space<vmem>>, %arg11: memref<!tpu.dma_semaphore, #tpu.memory_space<semaphore_mem>>, %arg12: memref<!tpu.dma_semaphore, #tpu.memory_space<semaphore_mem>>, %arg13: memref<!tpu.dma_semaphore, #tpu.memory_space<semaphore_mem>>, %arg14: memref<!tpu.dma_semaphore, #tpu.memory_space<semaphore_mem>>, %arg15: memref<!tpu.dma_semaphore, #tpu.memory_space<semaphore_mem>>) attributes {dimension_semantics = [#tpu.dimension_semantics<core_parallel>, #tpu.dimension_semantics<subcore_parallel>], iteration_bounds = array<i64: 2, 16>, scalar_prefetch = 0 : i64, scratch_operands = 10 : i64, tpu.core_type = #tpu.core_type<sc_vector_subcore>, window_params = [{transform_indices = #map}, {transform_indices = #map}, {transform_indices = #map1}, {transform_indices = #map2}]} {
    %mul3A = arith.constant 2 : i32
    %mul3A_0 = arith.muli %arg1, %mul3A : i32
    %add3A = arith.addi %mul3A_0, %arg0 : i32
    %mul3A_1 = arith.constant 128 : i32
    %mul3A_2 = arith.muli %add3A, %mul3A_1 : i32
    %dma_start3A = tpu.memref_slice %arg4[%mul3A_2] : memref<4096xi32, #tpu.memory_space<hbm>> -> memref<128xi32, #tpu.memory_space<hbm>>
    %dma_start3A_3 = tpu.memref_slice %arg4[%mul3A_2] : memref<4096xi32, #tpu.memory_space<hbm>> -> memref<128xi32, #tpu.memory_space<hbm>>
    tpu.enqueue_dma source(%dma_start3A_3 : memref<128xi32, #tpu.memory_space<hbm>>) target(%arg7 : memref<128xi32, #tpu.memory_space<vmem>>) target_semaphore(%arg11 : memref<!tpu.dma_semaphore, #tpu.memory_space<semaphore_mem>>)
    %dma_start3A_4 = arith.constant 0 : i32
    %dma_start3A_5 = tpu.memref_slice %arg2[%dma_start3A_4, %mul3A_2] : memref<4x4096xi32, #tpu.memory_space<hbm>> -> memref<4x128xi32, #tpu.memory_space<hbm>>
    %dma_start3A_6 = arith.constant 0 : i32
    %dma_start3A_7 = tpu.memref_slice %arg2[%dma_start3A_6, %mul3A_2] : memref<4x4096xi32, #tpu.memory_space<hbm>> -> memref<4x128xi32, #tpu.memory_space<hbm>>
    tpu.enqueue_dma source(%dma_start3A_7 : memref<4x128xi32, #tpu.memory_space<hbm>>) target(%arg6 : memref<4x128xi32, #tpu.memory_space<vmem>>) target_semaphore(%arg15 : memref<!tpu.dma_semaphore, #tpu.memory_space<semaphore_mem>>)
    %dma_start3A_8 = arith.constant 0 : i32
    %dma_start3A_9 = arith.constant 0 : i32
    %dma_start3A_10 = tpu.memref_slice %arg3[%dma_start3A_8, %dma_start3A_9] : memref<4099x1024xf32, #tpu.memory_space<hbm>> -> memref<8x1024xf32, #tpu.memory_space<hbm>>
    %dma_start3A_11 = arith.constant 0 : i32
    %dma_start3A_12 = arith.constant 0 : i32
    %dma_start3A_13 = tpu.memref_slice %arg3[%dma_start3A_11, %dma_start3A_12] : memref<4099x1024xf32, #tpu.memory_space<hbm>> -> memref<8x1024xf32, #tpu.memory_space<hbm>>
    tpu.enqueue_dma source(%dma_start3A_13 : memref<8x1024xf32, #tpu.memory_space<hbm>>) target(%arg9 : memref<8x1024xf32, #tpu.memory_space<vmem>>) target_semaphore(%arg15 : memref<!tpu.dma_semaphore, #tpu.memory_space<semaphore_mem>>)
    %dma_wait3A = tpu.memref_slice %arg4[%mul3A_2] : memref<4096xi32, #tpu.memory_space<hbm>> -> memref<128xi32, #tpu.memory_space<hbm>>
    %dma_wait3A_14 = tpu.memref_slice %arg4[%mul3A_2] : memref<4096xi32, #tpu.memory_space<hbm>> -> memref<128xi32, #tpu.memory_space<hbm>>
    tpu.wait_dma2 semaphore(%arg11 : memref<!tpu.dma_semaphore, #tpu.memory_space<semaphore_mem>>) src(%dma_wait3A_14 : memref<128xi32, #tpu.memory_space<hbm>>) dst(%arg7 : memref<128xi32, #tpu.memory_space<vmem>>)
    %iota3A = tpu.iota {dimensions = array<i32: 0>} : vector<16xi32>
    %dma_start3A_15 = arith.constant 0 : i32
    %dma_start3A_16 = arith.constant 0 : i32
    %dma_start3A_17 = arith.constant 0 : i32
    %dma_start3A_18 = tpu.memref_slice %arg8[%dma_start3A_15, %dma_start3A_16, %dma_start3A_17] : memref<3x32x1024xf32, #tpu.memory_space<vmem>> -> memref<1x32x1024xf32, #tpu.memory_space<vmem>>
    %dma_start3A_19 = tpu.memref_squeeze %dma_start3A_18 : memref<1x32x1024xf32, #tpu.memory_space<vmem>> -> memref<32x1024xf32, #tpu.memory_space<vmem>>
    %dma_start3A_20 = arith.constant 0 : i32
    %dma_start3A_21 = tpu.memref_slice %arg7[%dma_start3A_20] : memref<128xi32, #tpu.memory_space<vmem>> -> memref<32xi32, #tpu.memory_space<vmem>>
    %dma_start3A_22 = arith.constant 0 : i32
    %dma_start3A_23 = arith.constant 0 : i32
    %dma_start3A_24 = tpu.memref_slice %arg3[%dma_start3A_22, %dma_start3A_23] : memref<4099x1024xf32, #tpu.memory_space<hbm>> -> memref<4099x1024xf32, #tpu.memory_space<hbm>>
    tpu.enqueue_indirect_dma source(%dma_start3A_24 : memref<4099x1024xf32, #tpu.memory_space<hbm>>) target(%dma_start3A_19 : memref<32x1024xf32, #tpu.memory_space<vmem>>) offsets(%dma_start3A_21 : memref<32xi32, #tpu.memory_space<vmem>>) semaphore(%arg11 : memref<!tpu.dma_semaphore, #tpu.memory_space<semaphore_mem>>)
    %dma_wait3A_25 = arith.constant 0 : i32
    %dma_wait3A_26 = arith.constant 0 : i32
    %dma_wait3A_27 = arith.constant 0 : i32
    %dma_wait3A_28 = tpu.memref_slice %arg8[%dma_wait3A_25, %dma_wait3A_26, %dma_wait3A_27] : memref<3x32x1024xf32, #tpu.memory_space<vmem>> -> memref<1x32x1024xf32, #tpu.memory_space<vmem>>
    %dma_wait3A_29 = tpu.memref_squeeze %dma_wait3A_28 : memref<1x32x1024xf32, #tpu.memory_space<vmem>> -> memref<32x1024xf32, #tpu.memory_space<vmem>>
    %dma_wait3A_30 = arith.constant 0 : i32
    %dma_wait3A_31 = tpu.memref_slice %arg7[%dma_wait3A_30] : memref<128xi32, #tpu.memory_space<vmem>> -> memref<32xi32, #tpu.memory_space<vmem>>
    %dma_wait3A_32 = arith.constant 0 : i32
    %dma_wait3A_33 = arith.constant 0 : i32
    %dma_wait3A_34 = tpu.memref_slice %arg3[%dma_wait3A_32, %dma_wait3A_33] : memref<4099x1024xf32, #tpu.memory_space<hbm>> -> memref<4099x1024xf32, #tpu.memory_space<hbm>>
    tpu.wait_indirect_dma semaphore(%arg11 : memref<!tpu.dma_semaphore, #tpu.memory_space<semaphore_mem>>) src(%dma_wait3A_34 : memref<4099x1024xf32, #tpu.memory_space<hbm>>) dst(%dma_wait3A_29 : memref<32x1024xf32, #tpu.memory_space<vmem>>)
    %dma_start3A_35 = arith.constant 1 : i32
    %dma_start3A_36 = arith.constant 0 : i32
    %dma_start3A_37 = arith.constant 0 : i32
    %dma_start3A_38 = tpu.memref_slice %arg8[%dma_start3A_35, %dma_start3A_36, %dma_start3A_37] : memref<3x32x1024xf32, #tpu.memory_space<vmem>> -> memref<1x32x1024xf32, #tpu.memory_space<vmem>>
    %dma_start3A_39 = tpu.memref_squeeze %dma_start3A_38 : memref<1x32x1024xf32, #tpu.memory_space<vmem>> -> memref<32x1024xf32, #tpu.memory_space<vmem>>
    %dma_start3A_40 = arith.constant 32 : i32
    %dma_start3A_41 = tpu.memref_slice %arg7[%dma_start3A_40] : memref<128xi32, #tpu.memory_space<vmem>> -> memref<32xi32, #tpu.memory_space<vmem>>
    %dma_start3A_42 = arith.constant 0 : i32
    %dma_start3A_43 = arith.constant 0 : i32
    %dma_start3A_44 = tpu.memref_slice %arg3[%dma_start3A_42, %dma_start3A_43] : memref<4099x1024xf32, #tpu.memory_space<hbm>> -> memref<4099x1024xf32, #tpu.memory_space<hbm>>
    tpu.enqueue_indirect_dma source(%dma_start3A_44 : memref<4099x1024xf32, #tpu.memory_space<hbm>>) target(%dma_start3A_39 : memref<32x1024xf32, #tpu.memory_space<vmem>>) offsets(%dma_start3A_41 : memref<32xi32, #tpu.memory_space<vmem>>) semaphore(%arg11 : memref<!tpu.dma_semaphore, #tpu.memory_space<semaphore_mem>>)
    %add3A_45 = arith.constant 0 : i32
    %add3A_46 = arith.addi %mul3A_2, %add3A_45 : i32
    %dma_start3A_47 = arith.constant 0 : i32
    %dma_start3A_48 = arith.constant 0 : i32
    %dma_start3A_49 = arith.constant 0 : i32
    %dma_start3A_50 = arith.constant 0 : i32
    %dma_start3A_51 = tpu.memref_slice %arg8[%dma_start3A_47, %dma_start3A_49, %dma_start3A_50] : memref<3x32x1024xf32, #tpu.memory_space<vmem>> -> memref<1x32x1024xf32, #tpu.memory_space<vmem>>
    %dma_start3A_52 = tpu.memref_squeeze %dma_start3A_51 : memref<1x32x1024xf32, #tpu.memory_space<vmem>> -> memref<32x1024xf32, #tpu.memory_space<vmem>>
    %dma_start3A_53 = arith.constant 0 : i32
    %dma_start3A_54 = tpu.memref_slice %arg5[%dma_start3A_48, %add3A_46, %dma_start3A_53] : memref<4x4096x1024xf32, #tpu.memory_space<hbm>> -> memref<1x32x1024xf32, #tpu.memory_space<hbm>>
    %dma_start3A_55 = tpu.memref_squeeze %dma_start3A_54 : memref<1x32x1024xf32, #tpu.memory_space<hbm>> -> memref<32x1024xf32, #tpu.memory_space<hbm>>
    %dma_start3A_56 = arith.constant 0 : i32
    %dma_start3A_57 = tpu.memref_slice %arg5[%dma_start3A_48, %add3A_46, %dma_start3A_56] : memref<4x4096x1024xf32, #tpu.memory_space<hbm>> -> memref<1x32x1024xf32, #tpu.memory_space<hbm>>
    %dma_start3A_58 = tpu.memref_squeeze %dma_start3A_57 : memref<1x32x1024xf32, #tpu.memory_space<hbm>> -> memref<32x1024xf32, #tpu.memory_space<hbm>>
    %dma_start3A_59 = arith.constant 0 : i32
    %dma_start3A_60 = arith.constant 0 : i32
    %dma_start3A_61 = tpu.memref_slice %arg8[%dma_start3A_47, %dma_start3A_59, %dma_start3A_60] : memref<3x32x1024xf32, #tpu.memory_space<vmem>> -> memref<1x32x1024xf32, #tpu.memory_space<vmem>>
    %dma_start3A_62 = tpu.memref_squeeze %dma_start3A_61 : memref<1x32x1024xf32, #tpu.memory_space<vmem>> -> memref<32x1024xf32, #tpu.memory_space<vmem>>
    tpu.enqueue_dma source(%dma_start3A_62 : memref<32x1024xf32, #tpu.memory_space<vmem>>) target(%dma_start3A_58 : memref<32x1024xf32, #tpu.memory_space<hbm>>) target_semaphore(%arg12 : memref<!tpu.dma_semaphore, #tpu.memory_space<semaphore_mem>>)
    %dma_start3A_63 = arith.constant 0 : i32
    %dma_start3A_64 = arith.constant 1 : i32
    %dma_start3A_65 = arith.constant 0 : i32
    %dma_start3A_66 = arith.constant 0 : i32
    %dma_start3A_67 = tpu.memref_slice %arg8[%dma_start3A_63, %dma_start3A_65, %dma_start3A_66] : memref<3x32x1024xf32, #tpu.memory_space<vmem>> -> memref<1x32x1024xf32, #tpu.memory_space<vmem>>
    %dma_start3A_68 = tpu.memref_squeeze %dma_start3A_67 : memref<1x32x1024xf32, #tpu.memory_space<vmem>> -> memref<32x1024xf32, #tpu.memory_space<vmem>>
    %dma_start3A_69 = arith.constant 0 : i32
    %dma_start3A_70 = tpu.memref_slice %arg5[%dma_start3A_64, %add3A_46, %dma_start3A_69] : memref<4x4096x1024xf32, #tpu.memory_space<hbm>> -> memref<1x32x1024xf32, #tpu.memory_space<hbm>>
    %dma_start3A_71 = tpu.memref_squeeze %dma_start3A_70 : memref<1x32x1024xf32, #tpu.memory_space<hbm>> -> memref<32x1024xf32, #tpu.memory_space<hbm>>
    %dma_start3A_72 = arith.constant 0 : i32
    %dma_start3A_73 = tpu.memref_slice %arg5[%dma_start3A_64, %add3A_46, %dma_start3A_72] : memref<4x4096x1024xf32, #tpu.memory_space<hbm>> -> memref<1x32x1024xf32, #tpu.memory_space<hbm>>
    %dma_start3A_74 = tpu.memref_squeeze %dma_start3A_73 : memref<1x32x1024xf32, #tpu.memory_space<hbm>> -> memref<32x1024xf32, #tpu.memory_space<hbm>>
    %dma_start3A_75 = arith.constant 0 : i32
    %dma_start3A_76 = arith.constant 0 : i32
    %dma_start3A_77 = tpu.memref_slice %arg8[%dma_start3A_63, %dma_start3A_75, %dma_start3A_76] : memref<3x32x1024xf32, #tpu.memory_space<vmem>> -> memref<1x32x1024xf32, #tpu.memory_space<vmem>>
    %dma_start3A_78 = tpu.memref_squeeze %dma_start3A_77 : memref<1x32x1024xf32, #tpu.memory_space<vmem>> -> memref<32x1024xf32, #tpu.memory_space<vmem>>
    tpu.enqueue_dma source(%dma_start3A_78 : memref<32x1024xf32, #tpu.memory_space<vmem>>) target(%dma_start3A_74 : memref<32x1024xf32, #tpu.memory_space<hbm>>) target_semaphore(%arg12 : memref<!tpu.dma_semaphore, #tpu.memory_space<semaphore_mem>>)
    %dma_start3A_79 = arith.constant 0 : i32
    %dma_start3A_80 = arith.constant 2 : i32
    %dma_start3A_81 = arith.constant 0 : i32
    %dma_start3A_82 = arith.constant 0 : i32
    %dma_start3A_83 = tpu.memref_slice %arg8[%dma_start3A_79, %dma_start3A_81, %dma_start3A_82] : memref<3x32x1024xf32, #tpu.memory_space<vmem>> -> memref<1x32x1024xf32, #tpu.memory_space<vmem>>
    %dma_start3A_84 = tpu.memref_squeeze %dma_start3A_83 : memref<1x32x1024xf32, #tpu.memory_space<vmem>> -> memref<32x1024xf32, #tpu.memory_space<vmem>>
    %dma_start3A_85 = arith.constant 0 : i32
    %dma_start3A_86 = tpu.memref_slice %arg5[%dma_start3A_80, %add3A_46, %dma_start3A_85] : memref<4x4096x1024xf32, #tpu.memory_space<hbm>> -> memref<1x32x1024xf32, #tpu.memory_space<hbm>>
    %dma_start3A_87 = tpu.memref_squeeze %dma_start3A_86 : memref<1x32x1024xf32, #tpu.memory_space<hbm>> -> memref<32x1024xf32, #tpu.memory_space<hbm>>
    %dma_start3A_88 = arith.constant 0 : i32
    %dma_start3A_89 = tpu.memref_slice %arg5[%dma_start3A_80, %add3A_46, %dma_start3A_88] : memref<4x4096x1024xf32, #tpu.memory_space<hbm>> -> memref<1x32x1024xf32, #tpu.memory_space<hbm>>
    %dma_start3A_90 = tpu.memref_squeeze %dma_start3A_89 : memref<1x32x1024xf32, #tpu.memory_space<hbm>> -> memref<32x1024xf32, #tpu.memory_space<hbm>>
    %dma_start3A_91 = arith.constant 0 : i32
    %dma_start3A_92 = arith.constant 0 : i32
    %dma_start3A_93 = tpu.memref_slice %arg8[%dma_start3A_79, %dma_start3A_91, %dma_start3A_92] : memref<3x32x1024xf32, #tpu.memory_space<vmem>> -> memref<1x32x1024xf32, #tpu.memory_space<vmem>>
    %dma_start3A_94 = tpu.memref_squeeze %dma_start3A_93 : memref<1x32x1024xf32, #tpu.memory_space<vmem>> -> memref<32x1024xf32, #tpu.memory_space<vmem>>
    tpu.enqueue_dma source(%dma_start3A_94 : memref<32x1024xf32, #tpu.memory_space<vmem>>) target(%dma_start3A_90 : memref<32x1024xf32, #tpu.memory_space<hbm>>) target_semaphore(%arg12 : memref<!tpu.dma_semaphore, #tpu.memory_space<semaphore_mem>>)
    %dma_start3A_95 = arith.constant 0 : i32
    %dma_start3A_96 = arith.constant 3 : i32
    %dma_start3A_97 = arith.constant 0 : i32
    %dma_start3A_98 = arith.constant 0 : i32
    %dma_start3A_99 = tpu.memref_slice %arg8[%dma_start3A_95, %dma_start3A_97, %dma_start3A_98] : memref<3x32x1024xf32, #tpu.memory_space<vmem>> -> memref<1x32x1024xf32, #tpu.memory_space<vmem>>
    %dma_start3A_100 = tpu.memref_squeeze %dma_start3A_99 : memref<1x32x1024xf32, #tpu.memory_space<vmem>> -> memref<32x1024xf32, #tpu.memory_space<vmem>>
    %dma_start3A_101 = arith.constant 0 : i32
    %dma_start3A_102 = tpu.memref_slice %arg5[%dma_start3A_96, %add3A_46, %dma_start3A_101] : memref<4x4096x1024xf32, #tpu.memory_space<hbm>> -> memref<1x32x1024xf32, #tpu.memory_space<hbm>>
    %dma_start3A_103 = tpu.memref_squeeze %dma_start3A_102 : memref<1x32x1024xf32, #tpu.memory_space<hbm>> -> memref<32x1024xf32, #tpu.memory_space<hbm>>
    %dma_start3A_104 = arith.constant 0 : i32
    %dma_start3A_105 = tpu.memref_slice %arg5[%dma_start3A_96, %add3A_46, %dma_start3A_104] : memref<4x4096x1024xf32, #tpu.memory_space<hbm>> -> memref<1x32x1024xf32, #tpu.memory_space<hbm>>
    %dma_start3A_106 = tpu.memref_squeeze %dma_start3A_105 : memref<1x32x1024xf32, #tpu.memory_space<hbm>> -> memref<32x1024xf32, #tpu.memory_space<hbm>>
    %dma_start3A_107 = arith.constant 0 : i32
    %dma_start3A_108 = arith.constant 0 : i32
    %dma_start3A_109 = tpu.memref_slice %arg8[%dma_start3A_95, %dma_start3A_107, %dma_start3A_108] : memref<3x32x1024xf32, #tpu.memory_space<vmem>> -> memref<1x32x1024xf32, #tpu.memory_space<vmem>>
    %dma_start3A_110 = tpu.memref_squeeze %dma_start3A_109 : memref<1x32x1024xf32, #tpu.memory_space<vmem>> -> memref<32x1024xf32, #tpu.memory_space<vmem>>
    tpu.enqueue_dma source(%dma_start3A_110 : memref<32x1024xf32, #tpu.memory_space<vmem>>) target(%dma_start3A_106 : memref<32x1024xf32, #tpu.memory_space<hbm>>) target_semaphore(%arg12 : memref<!tpu.dma_semaphore, #tpu.memory_space<semaphore_mem>>)
    %dma_wait3A_111 = arith.constant 0 : i32
    %dma_wait3A_112 = tpu.memref_slice %arg2[%dma_wait3A_111, %mul3A_2] : memref<4x4096xi32, #tpu.memory_space<hbm>> -> memref<4x128xi32, #tpu.memory_space<hbm>>
    %dma_wait3A_113 = arith.constant 0 : i32
    %dma_wait3A_114 = tpu.memref_slice %arg2[%dma_wait3A_113, %mul3A_2] : memref<4x4096xi32, #tpu.memory_space<hbm>> -> memref<4x128xi32, #tpu.memory_space<hbm>>
    tpu.wait_dma2 semaphore(%arg15 : memref<!tpu.dma_semaphore, #tpu.memory_space<semaphore_mem>>) src(%dma_wait3A_114 : memref<4x128xi32, #tpu.memory_space<hbm>>) dst(%arg6 : memref<4x128xi32, #tpu.memory_space<vmem>>)
    %broadcast_in_dim3A = arith.constant 0 : i32
    %broadcast_in_dim3A_115 = vector.broadcast %broadcast_in_dim3A : i32 to vector<16xi32>
    %scan3A = arith.constant 0 : i32
    %scan3A_116 = arith.constant 32 : i32
    %scan3A_117 = arith.addi %scan3A, %scan3A_116 : i32
    %scan3A_118 = arith.constant 1 : i32
    %scan3A_119 = scf.for %scan3A_636 = %scan3A to %scan3A_117 step %scan3A_118 iter_args(%scan3A_637 = %broadcast_in_dim3A_115) -> (vector<16xi32>)  : i32 {
      %jit3A = arith.constant 8 : i32
      %div3A = arith.divsi %scan3A_636, %jit3A : i32
      %sign3A = arith.constant 0 : i32
      %sign3A_638 = arith.cmpi sgt, %scan3A_636, %sign3A : i32
      %sign3A_639 = arith.extui %sign3A_638 : i1 to i32
      %sign3A_640 = arith.constant 0 : i32
      %sign3A_641 = arith.cmpi slt, %scan3A_636, %sign3A_640 : i32
      %sign3A_642 = arith.extui %sign3A_641 : i1 to i32
      %sign3A_643 = arith.subi %sign3A_639, %sign3A_642 : i32
      %sign3A_644 = arith.constant 0 : i32
      %sign3A_645 = arith.cmpi sgt, %jit3A, %sign3A_644 : i32
      %sign3A_646 = arith.extui %sign3A_645 : i1 to i32
      %sign3A_647 = arith.constant 0 : i32
      %sign3A_648 = arith.cmpi slt, %jit3A, %sign3A_647 : i32
      %sign3A_649 = arith.extui %sign3A_648 : i1 to i32
      %sign3A_650 = arith.subi %sign3A_646, %sign3A_649 : i32
      %ne3A_651 = arith.cmpi ne, %sign3A_643, %sign3A_650 : i32
      %rem3A = arith.remsi %scan3A_636, %jit3A : i32
      %ne3A_652 = arith.constant 0 : i32
      %ne3A_653 = arith.cmpi ne, %rem3A, %ne3A_652 : i32
      %and3A = arith.andi %ne3A_651, %ne3A_653 : i1
      %sub3A = arith.constant 1 : i32
      %sub3A_654 = arith.subi %div3A, %sub3A : i32
      %select_n3A = arith.select %and3A, %sub3A_654, %div3A : i32
      %mul3A_655 = arith.constant 8 : i32
      %mul3A_656 = arith.muli %select_n3A, %mul3A_655 : i32
      %sub3A_657 = arith.subi %scan3A_636, %mul3A_656 : i32
      %mul3A_658 = arith.constant 16 : i32
      %mul3A_659 = arith.muli %sub3A_657, %mul3A_658 : i32
      %get3A = arith.index_cast %select_n3A : i32 to index
      %get3A_660 = arith.index_cast %mul3A_659 : i32 to index
      %get3A_661 = tpu.vector_load %arg6[%get3A, %get3A_660] {strides = array<i32>} : memref<4x128xi32, #tpu.memory_space<vmem>>, vector<16xi32>,
      %eq3A = arith.constant 1 : i32
      %eq3A_662 = vector.broadcast %eq3A : i32 to vector<16xi32>
      %eq3A_663 = arith.cmpi eq, %get3A_661, %eq3A_662 : vector<16xi32>
      %jit3A_664 = arith.constant 1 : i32
      %jit3A_665 = arith.constant 0 : i32
      %broadcast_in_dim3A_666 = vector.broadcast %jit3A_664 : i32 to vector<16xi32>
      %broadcast_in_dim3A_667 = vector.broadcast %jit3A_665 : i32 to vector<16xi32>
      %select_n3A_668 = arith.select %eq3A_663, %broadcast_in_dim3A_666, %broadcast_in_dim3A_667 : vector<16xi1>, vector<16xi32>
      %add3A_669 = arith.addi %scan3A_637, %select_n3A_668 : vector<16xi32>
      scf.yield %add3A_669 : vector<16xi32>
    }
    %scan3A_120 = arith.constant 32 : i32
    %reduce_sum3A = arith.constant true
    %reduce_sum3A_121 = vector.broadcast %reduce_sum3A : i1 to vector<16xi1>
    %reduce_sum3A_122 = tpu.scan <sum>, %scan3A_119 masked %reduce_sum3A_121 : vector<16xi32>, vector<16xi1> -> vector<16xi32>
    %reduce_sum3A_123 = vector.extract %reduce_sum3A_122[15] : i32 from vector<16xi32>
    %dma_wait3A_124 = arith.constant 1 : i32
    %dma_wait3A_125 = arith.constant 0 : i32
    %dma_wait3A_126 = arith.constant 0 : i32
    %dma_wait3A_127 = tpu.memref_slice %arg8[%dma_wait3A_124, %dma_wait3A_125, %dma_wait3A_126] : memref<3x32x1024xf32, #tpu.memory_space<vmem>> -> memref<1x32x1024xf32, #tpu.memory_space<vmem>>
    %dma_wait3A_128 = tpu.memref_squeeze %dma_wait3A_127 : memref<1x32x1024xf32, #tpu.memory_space<vmem>> -> memref<32x1024xf32, #tpu.memory_space<vmem>>
    %dma_wait3A_129 = arith.constant 32 : i32
    %dma_wait3A_130 = tpu.memref_slice %arg7[%dma_wait3A_129] : memref<128xi32, #tpu.memory_space<vmem>> -> memref<32xi32, #tpu.memory_space<vmem>>
    %dma_wait3A_131 = arith.constant 0 : i32
    %dma_wait3A_132 = arith.constant 0 : i32
    %dma_wait3A_133 = tpu.memref_slice %arg3[%dma_wait3A_131, %dma_wait3A_132] : memref<4099x1024xf32, #tpu.memory_space<hbm>> -> memref<4099x1024xf32, #tpu.memory_space<hbm>>
    tpu.wait_indirect_dma semaphore(%arg11 : memref<!tpu.dma_semaphore, #tpu.memory_space<semaphore_mem>>) src(%dma_wait3A_133 : memref<4099x1024xf32, #tpu.memory_space<hbm>>) dst(%dma_wait3A_128 : memref<32x1024xf32, #tpu.memory_space<vmem>>)
    %dma_start3A_134 = arith.constant 2 : i32
    %dma_start3A_135 = arith.constant 0 : i32
    %dma_start3A_136 = arith.constant 0 : i32
    %dma_start3A_137 = tpu.memref_slice %arg8[%dma_start3A_134, %dma_start3A_135, %dma_start3A_136] : memref<3x32x1024xf32, #tpu.memory_space<vmem>> -> memref<1x32x1024xf32, #tpu.memory_space<vmem>>
    %dma_start3A_138 = tpu.memref_squeeze %dma_start3A_137 : memref<1x32x1024xf32, #tpu.memory_space<vmem>> -> memref<32x1024xf32, #tpu.memory_space<vmem>>
    %dma_start3A_139 = arith.constant 64 : i32
    %dma_start3A_140 = tpu.memref_slice %arg7[%dma_start3A_139] : memref<128xi32, #tpu.memory_space<vmem>> -> memref<32xi32, #tpu.memory_space<vmem>>
    %dma_start3A_141 = arith.constant 0 : i32
    %dma_start3A_142 = arith.constant 0 : i32
    %dma_start3A_143 = tpu.memref_slice %arg3[%dma_start3A_141, %dma_start3A_142] : memref<4099x1024xf32, #tpu.memory_space<hbm>> -> memref<4099x1024xf32, #tpu.memory_space<hbm>>
    tpu.enqueue_indirect_dma source(%dma_start3A_143 : memref<4099x1024xf32, #tpu.memory_space<hbm>>) target(%dma_start3A_138 : memref<32x1024xf32, #tpu.memory_space<vmem>>) offsets(%dma_start3A_140 : memref<32xi32, #tpu.memory_space<vmem>>) semaphore(%arg11 : memref<!tpu.dma_semaphore, #tpu.memory_space<semaphore_mem>>)
    %add3A_144 = arith.constant 32 : i32
    %add3A_145 = arith.addi %mul3A_2, %add3A_144 : i32
    %dma_start3A_146 = arith.constant 1 : i32
    %dma_start3A_147 = arith.constant 0 : i32
    %dma_start3A_148 = arith.constant 0 : i32
    %dma_start3A_149 = arith.constant 0 : i32
    %dma_start3A_150 = tpu.memref_slice %arg8[%dma_start3A_146, %dma_start3A_148, %dma_start3A_149] : memref<3x32x1024xf32, #tpu.memory_space<vmem>> -> memref<1x32x1024xf32, #tpu.memory_space<vmem>>
    %dma_start3A_151 = tpu.memref_squeeze %dma_start3A_150 : memref<1x32x1024xf32, #tpu.memory_space<vmem>> -> memref<32x1024xf32, #tpu.memory_space<vmem>>
    %dma_start3A_152 = arith.constant 0 : i32
    %dma_start3A_153 = tpu.memref_slice %arg5[%dma_start3A_147, %add3A_145, %dma_start3A_152] : memref<4x4096x1024xf32, #tpu.memory_space<hbm>> -> memref<1x32x1024xf32, #tpu.memory_space<hbm>>
    %dma_start3A_154 = tpu.memref_squeeze %dma_start3A_153 : memref<1x32x1024xf32, #tpu.memory_space<hbm>> -> memref<32x1024xf32, #tpu.memory_space<hbm>>
    %dma_start3A_155 = arith.constant 0 : i32
    %dma_start3A_156 = tpu.memref_slice %arg5[%dma_start3A_147, %add3A_145, %dma_start3A_155] : memref<4x4096x1024xf32, #tpu.memory_space<hbm>> -> memref<1x32x1024xf32, #tpu.memory_space<hbm>>
    %dma_start3A_157 = tpu.memref_squeeze %dma_start3A_156 : memref<1x32x1024xf32, #tpu.memory_space<hbm>> -> memref<32x1024xf32, #tpu.memory_space<hbm>>
    %dma_start3A_158 = arith.constant 0 : i32
    %dma_start3A_159 = arith.constant 0 : i32
    %dma_start3A_160 = tpu.memref_slice %arg8[%dma_start3A_146, %dma_start3A_158, %dma_start3A_159] : memref<3x32x1024xf32, #tpu.memory_space<vmem>> -> memref<1x32x1024xf32, #tpu.memory_space<vmem>>
    %dma_start3A_161 = tpu.memref_squeeze %dma_start3A_160 : memref<1x32x1024xf32, #tpu.memory_space<vmem>> -> memref<32x1024xf32, #tpu.memory_space<vmem>>
    tpu.enqueue_dma source(%dma_start3A_161 : memref<32x1024xf32, #tpu.memory_space<vmem>>) target(%dma_start3A_157 : memref<32x1024xf32, #tpu.memory_space<hbm>>) target_semaphore(%arg13 : memref<!tpu.dma_semaphore, #tpu.memory_space<semaphore_mem>>)
    %dma_start3A_162 = arith.constant 1 : i32
    %dma_start3A_163 = arith.constant 1 : i32
    %dma_start3A_164 = arith.constant 0 : i32
    %dma_start3A_165 = arith.constant 0 : i32
    %dma_start3A_166 = tpu.memref_slice %arg8[%dma_start3A_162, %dma_start3A_164, %dma_start3A_165] : memref<3x32x1024xf32, #tpu.memory_space<vmem>> -> memref<1x32x1024xf32, #tpu.memory_space<vmem>>
    %dma_start3A_167 = tpu.memref_squeeze %dma_start3A_166 : memref<1x32x1024xf32, #tpu.memory_space<vmem>> -> memref<32x1024xf32, #tpu.memory_space<vmem>>
    %dma_start3A_168 = arith.constant 0 : i32
    %dma_start3A_169 = tpu.memref_slice %arg5[%dma_start3A_163, %add3A_145, %dma_start3A_168] : memref<4x4096x1024xf32, #tpu.memory_space<hbm>> -> memref<1x32x1024xf32, #tpu.memory_space<hbm>>
    %dma_start3A_170 = tpu.memref_squeeze %dma_start3A_169 : memref<1x32x1024xf32, #tpu.memory_space<hbm>> -> memref<32x1024xf32, #tpu.memory_space<hbm>>
    %dma_start3A_171 = arith.constant 0 : i32
    %dma_start3A_172 = tpu.memref_slice %arg5[%dma_start3A_163, %add3A_145, %dma_start3A_171] : memref<4x4096x1024xf32, #tpu.memory_space<hbm>> -> memref<1x32x1024xf32, #tpu.memory_space<hbm>>
    %dma_start3A_173 = tpu.memref_squeeze %dma_start3A_172 : memref<1x32x1024xf32, #tpu.memory_space<hbm>> -> memref<32x1024xf32, #tpu.memory_space<hbm>>
    %dma_start3A_174 = arith.constant 0 : i32
    %dma_start3A_175 = arith.constant 0 : i32
    %dma_start3A_176 = tpu.memref_slice %arg8[%dma_start3A_162, %dma_start3A_174, %dma_start3A_175] : memref<3x32x1024xf32, #tpu.memory_space<vmem>> -> memref<1x32x1024xf32, #tpu.memory_space<vmem>>
    %dma_start3A_177 = tpu.memref_squeeze %dma_start3A_176 : memref<1x32x1024xf32, #tpu.memory_space<vmem>> -> memref<32x1024xf32, #tpu.memory_space<vmem>>
    tpu.enqueue_dma source(%dma_start3A_177 : memref<32x1024xf32, #tpu.memory_space<vmem>>) target(%dma_start3A_173 : memref<32x1024xf32, #tpu.memory_space<hbm>>) target_semaphore(%arg13 : memref<!tpu.dma_semaphore, #tpu.memory_space<semaphore_mem>>)
    %dma_start3A_178 = arith.constant 1 : i32
    %dma_start3A_179 = arith.constant 2 : i32
    %dma_start3A_180 = arith.constant 0 : i32
    %dma_start3A_181 = arith.constant 0 : i32
    %dma_start3A_182 = tpu.memref_slice %arg8[%dma_start3A_178, %dma_start3A_180, %dma_start3A_181] : memref<3x32x1024xf32, #tpu.memory_space<vmem>> -> memref<1x32x1024xf32, #tpu.memory_space<vmem>>
    %dma_start3A_183 = tpu.memref_squeeze %dma_start3A_182 : memref<1x32x1024xf32, #tpu.memory_space<vmem>> -> memref<32x1024xf32, #tpu.memory_space<vmem>>
    %dma_start3A_184 = arith.constant 0 : i32
    %dma_start3A_185 = tpu.memref_slice %arg5[%dma_start3A_179, %add3A_145, %dma_start3A_184] : memref<4x4096x1024xf32, #tpu.memory_space<hbm>> -> memref<1x32x1024xf32, #tpu.memory_space<hbm>>
    %dma_start3A_186 = tpu.memref_squeeze %dma_start3A_185 : memref<1x32x1024xf32, #tpu.memory_space<hbm>> -> memref<32x1024xf32, #tpu.memory_space<hbm>>
    %dma_start3A_187 = arith.constant 0 : i32
    %dma_start3A_188 = tpu.memref_slice %arg5[%dma_start3A_179, %add3A_145, %dma_start3A_187] : memref<4x4096x1024xf32, #tpu.memory_space<hbm>> -> memref<1x32x1024xf32, #tpu.memory_space<hbm>>
    %dma_start3A_189 = tpu.memref_squeeze %dma_start3A_188 : memref<1x32x1024xf32, #tpu.memory_space<hbm>> -> memref<32x1024xf32, #tpu.memory_space<hbm>>
    %dma_start3A_190 = arith.constant 0 : i32
    %dma_start3A_191 = arith.constant 0 : i32
    %dma_start3A_192 = tpu.memref_slice %arg8[%dma_start3A_178, %dma_start3A_190, %dma_start3A_191] : memref<3x32x1024xf32, #tpu.memory_space<vmem>> -> memref<1x32x1024xf32, #tpu.memory_space<vmem>>
    %dma_start3A_193 = tpu.memref_squeeze %dma_start3A_192 : memref<1x32x1024xf32, #tpu.memory_space<vmem>> -> memref<32x1024xf32, #tpu.memory_space<vmem>>
    tpu.enqueue_dma source(%dma_start3A_193 : memref<32x1024xf32, #tpu.memory_space<vmem>>) target(%dma_start3A_189 : memref<32x1024xf32, #tpu.memory_space<hbm>>) target_semaphore(%arg13 : memref<!tpu.dma_semaphore, #tpu.memory_space<semaphore_mem>>)
    %dma_start3A_194 = arith.constant 1 : i32
    %dma_start3A_195 = arith.constant 3 : i32
    %dma_start3A_196 = arith.constant 0 : i32
    %dma_start3A_197 = arith.constant 0 : i32
    %dma_start3A_198 = tpu.memref_slice %arg8[%dma_start3A_194, %dma_start3A_196, %dma_start3A_197] : memref<3x32x1024xf32, #tpu.memory_space<vmem>> -> memref<1x32x1024xf32, #tpu.memory_space<vmem>>
    %dma_start3A_199 = tpu.memref_squeeze %dma_start3A_198 : memref<1x32x1024xf32, #tpu.memory_space<vmem>> -> memref<32x1024xf32, #tpu.memory_space<vmem>>
    %dma_start3A_200 = arith.constant 0 : i32
    %dma_start3A_201 = tpu.memref_slice %arg5[%dma_start3A_195, %add3A_145, %dma_start3A_200] : memref<4x4096x1024xf32, #tpu.memory_space<hbm>> -> memref<1x32x1024xf32, #tpu.memory_space<hbm>>
    %dma_start3A_202 = tpu.memref_squeeze %dma_start3A_201 : memref<1x32x1024xf32, #tpu.memory_space<hbm>> -> memref<32x1024xf32, #tpu.memory_space<hbm>>
    %dma_start3A_203 = arith.constant 0 : i32
    %dma_start3A_204 = tpu.memref_slice %arg5[%dma_start3A_195, %add3A_145, %dma_start3A_203] : memref<4x4096x1024xf32, #tpu.memory_space<hbm>> -> memref<1x32x1024xf32, #tpu.memory_space<hbm>>
    %dma_start3A_205 = tpu.memref_squeeze %dma_start3A_204 : memref<1x32x1024xf32, #tpu.memory_space<hbm>> -> memref<32x1024xf32, #tpu.memory_space<hbm>>
    %dma_start3A_206 = arith.constant 0 : i32
    %dma_start3A_207 = arith.constant 0 : i32
    %dma_start3A_208 = tpu.memref_slice %arg8[%dma_start3A_194, %dma_start3A_206, %dma_start3A_207] : memref<3x32x1024xf32, #tpu.memory_space<vmem>> -> memref<1x32x1024xf32, #tpu.memory_space<vmem>>
    %dma_start3A_209 = tpu.memref_squeeze %dma_start3A_208 : memref<1x32x1024xf32, #tpu.memory_space<vmem>> -> memref<32x1024xf32, #tpu.memory_space<vmem>>
    tpu.enqueue_dma source(%dma_start3A_209 : memref<32x1024xf32, #tpu.memory_space<vmem>>) target(%dma_start3A_205 : memref<32x1024xf32, #tpu.memory_space<hbm>>) target_semaphore(%arg13 : memref<!tpu.dma_semaphore, #tpu.memory_space<semaphore_mem>>)
    %dma_wait3A_210 = arith.constant 2 : i32
    %dma_wait3A_211 = arith.constant 0 : i32
    %dma_wait3A_212 = arith.constant 0 : i32
    %dma_wait3A_213 = tpu.memref_slice %arg8[%dma_wait3A_210, %dma_wait3A_211, %dma_wait3A_212] : memref<3x32x1024xf32, #tpu.memory_space<vmem>> -> memref<1x32x1024xf32, #tpu.memory_space<vmem>>
    %dma_wait3A_214 = tpu.memref_squeeze %dma_wait3A_213 : memref<1x32x1024xf32, #tpu.memory_space<vmem>> -> memref<32x1024xf32, #tpu.memory_space<vmem>>
    %dma_wait3A_215 = arith.constant 64 : i32
    %dma_wait3A_216 = tpu.memref_slice %arg7[%dma_wait3A_215] : memref<128xi32, #tpu.memory_space<vmem>> -> memref<32xi32, #tpu.memory_space<vmem>>
    %dma_wait3A_217 = arith.constant 0 : i32
    %dma_wait3A_218 = arith.constant 0 : i32
    %dma_wait3A_219 = tpu.memref_slice %arg3[%dma_wait3A_217, %dma_wait3A_218] : memref<4099x1024xf32, #tpu.memory_space<hbm>> -> memref<4099x1024xf32, #tpu.memory_space<hbm>>
    tpu.wait_indirect_dma semaphore(%arg11 : memref<!tpu.dma_semaphore, #tpu.memory_space<semaphore_mem>>) src(%dma_wait3A_219 : memref<4099x1024xf32, #tpu.memory_space<hbm>>) dst(%dma_wait3A_214 : memref<32x1024xf32, #tpu.memory_space<vmem>>)
    %dma_wait3A_220 = arith.constant 0 : i32
    %dma_wait3A_221 = arith.constant 0 : i32
    %dma_wait3A_222 = arith.constant 0 : i32
    %dma_wait3A_223 = arith.constant 0 : i32
    %dma_wait3A_224 = tpu.memref_slice %arg8[%dma_wait3A_220, %dma_wait3A_222, %dma_wait3A_223] : memref<3x32x1024xf32, #tpu.memory_space<vmem>> -> memref<1x32x1024xf32, #tpu.memory_space<vmem>>
    %dma_wait3A_225 = tpu.memref_squeeze %dma_wait3A_224 : memref<1x32x1024xf32, #tpu.memory_space<vmem>> -> memref<32x1024xf32, #tpu.memory_space<vmem>>
    %dma_wait3A_226 = arith.constant 0 : i32
    %dma_wait3A_227 = tpu.memref_slice %arg5[%dma_wait3A_221, %add3A_46, %dma_wait3A_226] : memref<4x4096x1024xf32, #tpu.memory_space<hbm>> -> memref<1x32x1024xf32, #tpu.memory_space<hbm>>
    %dma_wait3A_228 = tpu.memref_squeeze %dma_wait3A_227 : memref<1x32x1024xf32, #tpu.memory_space<hbm>> -> memref<32x1024xf32, #tpu.memory_space<hbm>>
    %dma_wait3A_229 = arith.constant 0 : i32
    %dma_wait3A_230 = tpu.memref_slice %arg5[%dma_wait3A_221, %add3A_46, %dma_wait3A_229] : memref<4x4096x1024xf32, #tpu.memory_space<hbm>> -> memref<1x32x1024xf32, #tpu.memory_space<hbm>>
    %dma_wait3A_231 = tpu.memref_squeeze %dma_wait3A_230 : memref<1x32x1024xf32, #tpu.memory_space<hbm>> -> memref<32x1024xf32, #tpu.memory_space<hbm>>
    %dma_wait3A_232 = arith.constant 0 : i32
    %dma_wait3A_233 = arith.constant 0 : i32
    %dma_wait3A_234 = tpu.memref_slice %arg8[%dma_wait3A_220, %dma_wait3A_232, %dma_wait3A_233] : memref<3x32x1024xf32, #tpu.memory_space<vmem>> -> memref<1x32x1024xf32, #tpu.memory_space<vmem>>
    %dma_wait3A_235 = tpu.memref_squeeze %dma_wait3A_234 : memref<1x32x1024xf32, #tpu.memory_space<vmem>> -> memref<32x1024xf32, #tpu.memory_space<vmem>>
    tpu.wait_dma2 semaphore(%arg12 : memref<!tpu.dma_semaphore, #tpu.memory_space<semaphore_mem>>) src(%dma_wait3A_235 : memref<32x1024xf32, #tpu.memory_space<vmem>>) dst(%dma_wait3A_231 : memref<32x1024xf32, #tpu.memory_space<hbm>>)
    %dma_wait3A_236 = arith.constant 0 : i32
    %dma_wait3A_237 = arith.constant 1 : i32
    %dma_wait3A_238 = arith.constant 0 : i32
    %dma_wait3A_239 = arith.constant 0 : i32
    %dma_wait3A_240 = tpu.memref_slice %arg8[%dma_wait3A_236, %dma_wait3A_238, %dma_wait3A_239] : memref<3x32x1024xf32, #tpu.memory_space<vmem>> -> memref<1x32x1024xf32, #tpu.memory_space<vmem>>
    %dma_wait3A_241 = tpu.memref_squeeze %dma_wait3A_240 : memref<1x32x1024xf32, #tpu.memory_space<vmem>> -> memref<32x1024xf32, #tpu.memory_space<vmem>>
    %dma_wait3A_242 = arith.constant 0 : i32
    %dma_wait3A_243 = tpu.memref_slice %arg5[%dma_wait3A_237, %add3A_46, %dma_wait3A_242] : memref<4x4096x1024xf32, #tpu.memory_space<hbm>> -> memref<1x32x1024xf32, #tpu.memory_space<hbm>>
    %dma_wait3A_244 = tpu.memref_squeeze %dma_wait3A_243 : memref<1x32x1024xf32, #tpu.memory_space<hbm>> -> memref<32x1024xf32, #tpu.memory_space<hbm>>
    %dma_wait3A_245 = arith.constant 0 : i32
    %dma_wait3A_246 = tpu.memref_slice %arg5[%dma_wait3A_237, %add3A_46, %dma_wait3A_245] : memref<4x4096x1024xf32, #tpu.memory_space<hbm>> -> memref<1x32x1024xf32, #tpu.memory_space<hbm>>
    %dma_wait3A_247 = tpu.memref_squeeze %dma_wait3A_246 : memref<1x32x1024xf32, #tpu.memory_space<hbm>> -> memref<32x1024xf32, #tpu.memory_space<hbm>>
    %dma_wait3A_248 = arith.constant 0 : i32
    %dma_wait3A_249 = arith.constant 0 : i32
    %dma_wait3A_250 = tpu.memref_slice %arg8[%dma_wait3A_236, %dma_wait3A_248, %dma_wait3A_249] : memref<3x32x1024xf32, #tpu.memory_space<vmem>> -> memref<1x32x1024xf32, #tpu.memory_space<vmem>>
    %dma_wait3A_251 = tpu.memref_squeeze %dma_wait3A_250 : memref<1x32x1024xf32, #tpu.memory_space<vmem>> -> memref<32x1024xf32, #tpu.memory_space<vmem>>
    tpu.wait_dma2 semaphore(%arg12 : memref<!tpu.dma_semaphore, #tpu.memory_space<semaphore_mem>>) src(%dma_wait3A_251 : memref<32x1024xf32, #tpu.memory_space<vmem>>) dst(%dma_wait3A_247 : memref<32x1024xf32, #tpu.memory_space<hbm>>)
    %dma_wait3A_252 = arith.constant 0 : i32
    %dma_wait3A_253 = arith.constant 2 : i32
    %dma_wait3A_254 = arith.constant 0 : i32
    %dma_wait3A_255 = arith.constant 0 : i32
    %dma_wait3A_256 = tpu.memref_slice %arg8[%dma_wait3A_252, %dma_wait3A_254, %dma_wait3A_255] : memref<3x32x1024xf32, #tpu.memory_space<vmem>> -> memref<1x32x1024xf32, #tpu.memory_space<vmem>>
    %dma_wait3A_257 = tpu.memref_squeeze %dma_wait3A_256 : memref<1x32x1024xf32, #tpu.memory_space<vmem>> -> memref<32x1024xf32, #tpu.memory_space<vmem>>
    %dma_wait3A_258 = arith.constant 0 : i32
    %dma_wait3A_259 = tpu.memref_slice %arg5[%dma_wait3A_253, %add3A_46, %dma_wait3A_258] : memref<4x4096x1024xf32, #tpu.memory_space<hbm>> -> memref<1x32x1024xf32, #tpu.memory_space<hbm>>
    %dma_wait3A_260 = tpu.memref_squeeze %dma_wait3A_259 : memref<1x32x1024xf32, #tpu.memory_space<hbm>> -> memref<32x1024xf32, #tpu.memory_space<hbm>>
    %dma_wait3A_261 = arith.constant 0 : i32
    %dma_wait3A_262 = tpu.memref_slice %arg5[%dma_wait3A_253, %add3A_46, %dma_wait3A_261] : memref<4x4096x1024xf32, #tpu.memory_space<hbm>> -> memref<1x32x1024xf32, #tpu.memory_space<hbm>>
    %dma_wait3A_263 = tpu.memref_squeeze %dma_wait3A_262 : memref<1x32x1024xf32, #tpu.memory_space<hbm>> -> memref<32x1024xf32, #tpu.memory_space<hbm>>
    %dma_wait3A_264 = arith.constant 0 : i32
    %dma_wait3A_265 = arith.constant 0 : i32
    %dma_wait3A_266 = tpu.memref_slice %arg8[%dma_wait3A_252, %dma_wait3A_264, %dma_wait3A_265] : memref<3x32x1024xf32, #tpu.memory_space<vmem>> -> memref<1x32x1024xf32, #tpu.memory_space<vmem>>
    %dma_wait3A_267 = tpu.memref_squeeze %dma_wait3A_266 : memref<1x32x1024xf32, #tpu.memory_space<vmem>> -> memref<32x1024xf32, #tpu.memory_space<vmem>>
    tpu.wait_dma2 semaphore(%arg12 : memref<!tpu.dma_semaphore, #tpu.memory_space<semaphore_mem>>) src(%dma_wait3A_267 : memref<32x1024xf32, #tpu.memory_space<vmem>>) dst(%dma_wait3A_263 : memref<32x1024xf32, #tpu.memory_space<hbm>>)
    %dma_wait3A_268 = arith.constant 0 : i32
    %dma_wait3A_269 = arith.constant 3 : i32
    %dma_wait3A_270 = arith.constant 0 : i32
    %dma_wait3A_271 = arith.constant 0 : i32
    %dma_wait3A_272 = tpu.memref_slice %arg8[%dma_wait3A_268, %dma_wait3A_270, %dma_wait3A_271] : memref<3x32x1024xf32, #tpu.memory_space<vmem>> -> memref<1x32x1024xf32, #tpu.memory_space<vmem>>
    %dma_wait3A_273 = tpu.memref_squeeze %dma_wait3A_272 : memref<1x32x1024xf32, #tpu.memory_space<vmem>> -> memref<32x1024xf32, #tpu.memory_space<vmem>>
    %dma_wait3A_274 = arith.constant 0 : i32
    %dma_wait3A_275 = tpu.memref_slice %arg5[%dma_wait3A_269, %add3A_46, %dma_wait3A_274] : memref<4x4096x1024xf32, #tpu.memory_space<hbm>> -> memref<1x32x1024xf32, #tpu.memory_space<hbm>>
    %dma_wait3A_276 = tpu.memref_squeeze %dma_wait3A_275 : memref<1x32x1024xf32, #tpu.memory_space<hbm>> -> memref<32x1024xf32, #tpu.memory_space<hbm>>
    %dma_wait3A_277 = arith.constant 0 : i32
    %dma_wait3A_278 = tpu.memref_slice %arg5[%dma_wait3A_269, %add3A_46, %dma_wait3A_277] : memref<4x4096x1024xf32, #tpu.memory_space<hbm>> -> memref<1x32x1024xf32, #tpu.memory_space<hbm>>
    %dma_wait3A_279 = tpu.memref_squeeze %dma_wait3A_278 : memref<1x32x1024xf32, #tpu.memory_space<hbm>> -> memref<32x1024xf32, #tpu.memory_space<hbm>>
    %dma_wait3A_280 = arith.constant 0 : i32
    %dma_wait3A_281 = arith.constant 0 : i32
    %dma_wait3A_282 = tpu.memref_slice %arg8[%dma_wait3A_268, %dma_wait3A_280, %dma_wait3A_281] : memref<3x32x1024xf32, #tpu.memory_space<vmem>> -> memref<1x32x1024xf32, #tpu.memory_space<vmem>>
    %dma_wait3A_283 = tpu.memref_squeeze %dma_wait3A_282 : memref<1x32x1024xf32, #tpu.memory_space<vmem>> -> memref<32x1024xf32, #tpu.memory_space<vmem>>
    tpu.wait_dma2 semaphore(%arg12 : memref<!tpu.dma_semaphore, #tpu.memory_space<semaphore_mem>>) src(%dma_wait3A_283 : memref<32x1024xf32, #tpu.memory_space<vmem>>) dst(%dma_wait3A_279 : memref<32x1024xf32, #tpu.memory_space<hbm>>)
    %dma_start3A_284 = arith.constant 0 : i32
    %dma_start3A_285 = arith.constant 0 : i32
    %dma_start3A_286 = arith.constant 0 : i32
    %dma_start3A_287 = tpu.memref_slice %arg8[%dma_start3A_284, %dma_start3A_285, %dma_start3A_286] : memref<3x32x1024xf32, #tpu.memory_space<vmem>> -> memref<1x32x1024xf32, #tpu.memory_space<vmem>>
    %dma_start3A_288 = tpu.memref_squeeze %dma_start3A_287 : memref<1x32x1024xf32, #tpu.memory_space<vmem>> -> memref<32x1024xf32, #tpu.memory_space<vmem>>
    %dma_start3A_289 = arith.constant 96 : i32
    %dma_start3A_290 = tpu.memref_slice %arg7[%dma_start3A_289] : memref<128xi32, #tpu.memory_space<vmem>> -> memref<32xi32, #tpu.memory_space<vmem>>
    %dma_start3A_291 = arith.constant 0 : i32
    %dma_start3A_292 = arith.constant 0 : i32
    %dma_start3A_293 = tpu.memref_slice %arg3[%dma_start3A_291, %dma_start3A_292] : memref<4099x1024xf32, #tpu.memory_space<hbm>> -> memref<4099x1024xf32, #tpu.memory_space<hbm>>
    tpu.enqueue_indirect_dma source(%dma_start3A_293 : memref<4099x1024xf32, #tpu.memory_space<hbm>>) target(%dma_start3A_288 : memref<32x1024xf32, #tpu.memory_space<vmem>>) offsets(%dma_start3A_290 : memref<32xi32, #tpu.memory_space<vmem>>) semaphore(%arg11 : memref<!tpu.dma_semaphore, #tpu.memory_space<semaphore_mem>>)
    %add3A_294 = arith.constant 64 : i32
    %add3A_295 = arith.addi %mul3A_2, %add3A_294 : i32
    %dma_start3A_296 = arith.constant 2 : i32
    %dma_start3A_297 = arith.constant 0 : i32
    %dma_start3A_298 = arith.constant 0 : i32
    %dma_start3A_299 = arith.constant 0 : i32
    %dma_start3A_300 = tpu.memref_slice %arg8[%dma_start3A_296, %dma_start3A_298, %dma_start3A_299] : memref<3x32x1024xf32, #tpu.memory_space<vmem>> -> memref<1x32x1024xf32, #tpu.memory_space<vmem>>
    %dma_start3A_301 = tpu.memref_squeeze %dma_start3A_300 : memref<1x32x1024xf32, #tpu.memory_space<vmem>> -> memref<32x1024xf32, #tpu.memory_space<vmem>>
    %dma_start3A_302 = arith.constant 0 : i32
    %dma_start3A_303 = tpu.memref_slice %arg5[%dma_start3A_297, %add3A_295, %dma_start3A_302] : memref<4x4096x1024xf32, #tpu.memory_space<hbm>> -> memref<1x32x1024xf32, #tpu.memory_space<hbm>>
    %dma_start3A_304 = tpu.memref_squeeze %dma_start3A_303 : memref<1x32x1024xf32, #tpu.memory_space<hbm>> -> memref<32x1024xf32, #tpu.memory_space<hbm>>
    %dma_start3A_305 = arith.constant 0 : i32
    %dma_start3A_306 = tpu.memref_slice %arg5[%dma_start3A_297, %add3A_295, %dma_start3A_305] : memref<4x4096x1024xf32, #tpu.memory_space<hbm>> -> memref<1x32x1024xf32, #tpu.memory_space<hbm>>
    %dma_start3A_307 = tpu.memref_squeeze %dma_start3A_306 : memref<1x32x1024xf32, #tpu.memory_space<hbm>> -> memref<32x1024xf32, #tpu.memory_space<hbm>>
    %dma_start3A_308 = arith.constant 0 : i32
    %dma_start3A_309 = arith.constant 0 : i32
    %dma_start3A_310 = tpu.memref_slice %arg8[%dma_start3A_296, %dma_start3A_308, %dma_start3A_309] : memref<3x32x1024xf32, #tpu.memory_space<vmem>> -> memref<1x32x1024xf32, #tpu.memory_space<vmem>>
    %dma_start3A_311 = tpu.memref_squeeze %dma_start3A_310 : memref<1x32x1024xf32, #tpu.memory_space<vmem>> -> memref<32x1024xf32, #tpu.memory_space<vmem>>
    tpu.enqueue_dma source(%dma_start3A_311 : memref<32x1024xf32, #tpu.memory_space<vmem>>) target(%dma_start3A_307 : memref<32x1024xf32, #tpu.memory_space<hbm>>) target_semaphore(%arg14 : memref<!tpu.dma_semaphore, #tpu.memory_space<semaphore_mem>>)
    %dma_start3A_312 = arith.constant 2 : i32
    %dma_start3A_313 = arith.constant 1 : i32
    %dma_start3A_314 = arith.constant 0 : i32
    %dma_start3A_315 = arith.constant 0 : i32
    %dma_start3A_316 = tpu.memref_slice %arg8[%dma_start3A_312, %dma_start3A_314, %dma_start3A_315] : memref<3x32x1024xf32, #tpu.memory_space<vmem>> -> memref<1x32x1024xf32, #tpu.memory_space<vmem>>
    %dma_start3A_317 = tpu.memref_squeeze %dma_start3A_316 : memref<1x32x1024xf32, #tpu.memory_space<vmem>> -> memref<32x1024xf32, #tpu.memory_space<vmem>>
    %dma_start3A_318 = arith.constant 0 : i32
    %dma_start3A_319 = tpu.memref_slice %arg5[%dma_start3A_313, %add3A_295, %dma_start3A_318] : memref<4x4096x1024xf32, #tpu.memory_space<hbm>> -> memref<1x32x1024xf32, #tpu.memory_space<hbm>>
    %dma_start3A_320 = tpu.memref_squeeze %dma_start3A_319 : memref<1x32x1024xf32, #tpu.memory_space<hbm>> -> memref<32x1024xf32, #tpu.memory_space<hbm>>
    %dma_start3A_321 = arith.constant 0 : i32
    %dma_start3A_322 = tpu.memref_slice %arg5[%dma_start3A_313, %add3A_295, %dma_start3A_321] : memref<4x4096x1024xf32, #tpu.memory_space<hbm>> -> memref<1x32x1024xf32, #tpu.memory_space<hbm>>
    %dma_start3A_323 = tpu.memref_squeeze %dma_start3A_322 : memref<1x32x1024xf32, #tpu.memory_space<hbm>> -> memref<32x1024xf32, #tpu.memory_space<hbm>>
    %dma_start3A_324 = arith.constant 0 : i32
    %dma_start3A_325 = arith.constant 0 : i32
    %dma_start3A_326 = tpu.memref_slice %arg8[%dma_start3A_312, %dma_start3A_324, %dma_start3A_325] : memref<3x32x1024xf32, #tpu.memory_space<vmem>> -> memref<1x32x1024xf32, #tpu.memory_space<vmem>>
    %dma_start3A_327 = tpu.memref_squeeze %dma_start3A_326 : memref<1x32x1024xf32, #tpu.memory_space<vmem>> -> memref<32x1024xf32, #tpu.memory_space<vmem>>
    tpu.enqueue_dma source(%dma_start3A_327 : memref<32x1024xf32, #tpu.memory_space<vmem>>) target(%dma_start3A_323 : memref<32x1024xf32, #tpu.memory_space<hbm>>) target_semaphore(%arg14 : memref<!tpu.dma_semaphore, #tpu.memory_space<semaphore_mem>>)
    %dma_start3A_328 = arith.constant 2 : i32
    %dma_start3A_329 = arith.constant 2 : i32
    %dma_start3A_330 = arith.constant 0 : i32
    %dma_start3A_331 = arith.constant 0 : i32
    %dma_start3A_332 = tpu.memref_slice %arg8[%dma_start3A_328, %dma_start3A_330, %dma_start3A_331] : memref<3x32x1024xf32, #tpu.memory_space<vmem>> -> memref<1x32x1024xf32, #tpu.memory_space<vmem>>
    %dma_start3A_333 = tpu.memref_squeeze %dma_start3A_332 : memref<1x32x1024xf32, #tpu.memory_space<vmem>> -> memref<32x1024xf32, #tpu.memory_space<vmem>>
    %dma_start3A_334 = arith.constant 0 : i32
    %dma_start3A_335 = tpu.memref_slice %arg5[%dma_start3A_329, %add3A_295, %dma_start3A_334] : memref<4x4096x1024xf32, #tpu.memory_space<hbm>> -> memref<1x32x1024xf32, #tpu.memory_space<hbm>>
    %dma_start3A_336 = tpu.memref_squeeze %dma_start3A_335 : memref<1x32x1024xf32, #tpu.memory_space<hbm>> -> memref<32x1024xf32, #tpu.memory_space<hbm>>
    %dma_start3A_337 = arith.constant 0 : i32
    %dma_start3A_338 = tpu.memref_slice %arg5[%dma_start3A_329, %add3A_295, %dma_start3A_337] : memref<4x4096x1024xf32, #tpu.memory_space<hbm>> -> memref<1x32x1024xf32, #tpu.memory_space<hbm>>
    %dma_start3A_339 = tpu.memref_squeeze %dma_start3A_338 : memref<1x32x1024xf32, #tpu.memory_space<hbm>> -> memref<32x1024xf32, #tpu.memory_space<hbm>>
    %dma_start3A_340 = arith.constant 0 : i32
    %dma_start3A_341 = arith.constant 0 : i32
    %dma_start3A_342 = tpu.memref_slice %arg8[%dma_start3A_328, %dma_start3A_340, %dma_start3A_341] : memref<3x32x1024xf32, #tpu.memory_space<vmem>> -> memref<1x32x1024xf32, #tpu.memory_space<vmem>>
    %dma_start3A_343 = tpu.memref_squeeze %dma_start3A_342 : memref<1x32x1024xf32, #tpu.memory_space<vmem>> -> memref<32x1024xf32, #tpu.memory_space<vmem>>
    tpu.enqueue_dma source(%dma_start3A_343 : memref<32x1024xf32, #tpu.memory_space<vmem>>) target(%dma_start3A_339 : memref<32x1024xf32, #tpu.memory_space<hbm>>) target_semaphore(%arg14 : memref<!tpu.dma_semaphore, #tpu.memory_space<semaphore_mem>>)
    %dma_start3A_344 = arith.constant 2 : i32
    %dma_start3A_345 = arith.constant 3 : i32
    %dma_start3A_346 = arith.constant 0 : i32
    %dma_start3A_347 = arith.constant 0 : i32
    %dma_start3A_348 = tpu.memref_slice %arg8[%dma_start3A_344, %dma_start3A_346, %dma_start3A_347] : memref<3x32x1024xf32, #tpu.memory_space<vmem>> -> memref<1x32x1024xf32, #tpu.memory_space<vmem>>
    %dma_start3A_349 = tpu.memref_squeeze %dma_start3A_348 : memref<1x32x1024xf32, #tpu.memory_space<vmem>> -> memref<32x1024xf32, #tpu.memory_space<vmem>>
    %dma_start3A_350 = arith.constant 0 : i32
    %dma_start3A_351 = tpu.memref_slice %arg5[%dma_start3A_345, %add3A_295, %dma_start3A_350] : memref<4x4096x1024xf32, #tpu.memory_space<hbm>> -> memref<1x32x1024xf32, #tpu.memory_space<hbm>>
    %dma_start3A_352 = tpu.memref_squeeze %dma_start3A_351 : memref<1x32x1024xf32, #tpu.memory_space<hbm>> -> memref<32x1024xf32, #tpu.memory_space<hbm>>
    %dma_start3A_353 = arith.constant 0 : i32
    %dma_start3A_354 = tpu.memref_slice %arg5[%dma_start3A_345, %add3A_295, %dma_start3A_353] : memref<4x4096x1024xf32, #tpu.memory_space<hbm>> -> memref<1x32x1024xf32, #tpu.memory_space<hbm>>
    %dma_start3A_355 = tpu.memref_squeeze %dma_start3A_354 : memref<1x32x1024xf32, #tpu.memory_space<hbm>> -> memref<32x1024xf32, #tpu.memory_space<hbm>>
    %dma_start3A_356 = arith.constant 0 : i32
    %dma_start3A_357 = arith.constant 0 : i32
    %dma_start3A_358 = tpu.memref_slice %arg8[%dma_start3A_344, %dma_start3A_356, %dma_start3A_357] : memref<3x32x1024xf32, #tpu.memory_space<vmem>> -> memref<1x32x1024xf32, #tpu.memory_space<vmem>>
    %dma_start3A_359 = tpu.memref_squeeze %dma_start3A_358 : memref<1x32x1024xf32, #tpu.memory_space<vmem>> -> memref<32x1024xf32, #tpu.memory_space<vmem>>
    tpu.enqueue_dma source(%dma_start3A_359 : memref<32x1024xf32, #tpu.memory_space<vmem>>) target(%dma_start3A_355 : memref<32x1024xf32, #tpu.memory_space<hbm>>) target_semaphore(%arg14 : memref<!tpu.dma_semaphore, #tpu.memory_space<semaphore_mem>>)
    %dma_wait3A_360 = arith.constant 0 : i32
    %dma_wait3A_361 = arith.constant 0 : i32
    %dma_wait3A_362 = arith.constant 0 : i32
    %dma_wait3A_363 = tpu.memref_slice %arg8[%dma_wait3A_360, %dma_wait3A_361, %dma_wait3A_362] : memref<3x32x1024xf32, #tpu.memory_space<vmem>> -> memref<1x32x1024xf32, #tpu.memory_space<vmem>>
    %dma_wait3A_364 = tpu.memref_squeeze %dma_wait3A_363 : memref<1x32x1024xf32, #tpu.memory_space<vmem>> -> memref<32x1024xf32, #tpu.memory_space<vmem>>
    %dma_wait3A_365 = arith.constant 96 : i32
    %dma_wait3A_366 = tpu.memref_slice %arg7[%dma_wait3A_365] : memref<128xi32, #tpu.memory_space<vmem>> -> memref<32xi32, #tpu.memory_space<vmem>>
    %dma_wait3A_367 = arith.constant 0 : i32
    %dma_wait3A_368 = arith.constant 0 : i32
    %dma_wait3A_369 = tpu.memref_slice %arg3[%dma_wait3A_367, %dma_wait3A_368] : memref<4099x1024xf32, #tpu.memory_space<hbm>> -> memref<4099x1024xf32, #tpu.memory_space<hbm>>
    tpu.wait_indirect_dma semaphore(%arg11 : memref<!tpu.dma_semaphore, #tpu.memory_space<semaphore_mem>>) src(%dma_wait3A_369 : memref<4099x1024xf32, #tpu.memory_space<hbm>>) dst(%dma_wait3A_364 : memref<32x1024xf32, #tpu.memory_space<vmem>>)
    %add3A_370 = arith.constant 96 : i32
    %add3A_371 = arith.addi %mul3A_2, %add3A_370 : i32
    %dma_start3A_372 = arith.constant 0 : i32
    %dma_start3A_373 = arith.constant 0 : i32
    %dma_start3A_374 = arith.constant 0 : i32
    %dma_start3A_375 = arith.constant 0 : i32
    %dma_start3A_376 = tpu.memref_slice %arg8[%dma_start3A_372, %dma_start3A_374, %dma_start3A_375] : memref<3x32x1024xf32, #tpu.memory_space<vmem>> -> memref<1x32x1024xf32, #tpu.memory_space<vmem>>
    %dma_start3A_377 = tpu.memref_squeeze %dma_start3A_376 : memref<1x32x1024xf32, #tpu.memory_space<vmem>> -> memref<32x1024xf32, #tpu.memory_space<vmem>>
    %dma_start3A_378 = arith.constant 0 : i32
    %dma_start3A_379 = tpu.memref_slice %arg5[%dma_start3A_373, %add3A_371, %dma_start3A_378] : memref<4x4096x1024xf32, #tpu.memory_space<hbm>> -> memref<1x32x1024xf32, #tpu.memory_space<hbm>>
    %dma_start3A_380 = tpu.memref_squeeze %dma_start3A_379 : memref<1x32x1024xf32, #tpu.memory_space<hbm>> -> memref<32x1024xf32, #tpu.memory_space<hbm>>
    %dma_start3A_381 = arith.constant 0 : i32
    %dma_start3A_382 = tpu.memref_slice %arg5[%dma_start3A_373, %add3A_371, %dma_start3A_381] : memref<4x4096x1024xf32, #tpu.memory_space<hbm>> -> memref<1x32x1024xf32, #tpu.memory_space<hbm>>
    %dma_start3A_383 = tpu.memref_squeeze %dma_start3A_382 : memref<1x32x1024xf32, #tpu.memory_space<hbm>> -> memref<32x1024xf32, #tpu.memory_space<hbm>>
    %dma_start3A_384 = arith.constant 0 : i32
    %dma_start3A_385 = arith.constant 0 : i32
    %dma_start3A_386 = tpu.memref_slice %arg8[%dma_start3A_372, %dma_start3A_384, %dma_start3A_385] : memref<3x32x1024xf32, #tpu.memory_space<vmem>> -> memref<1x32x1024xf32, #tpu.memory_space<vmem>>
    %dma_start3A_387 = tpu.memref_squeeze %dma_start3A_386 : memref<1x32x1024xf32, #tpu.memory_space<vmem>> -> memref<32x1024xf32, #tpu.memory_space<vmem>>
    tpu.enqueue_dma source(%dma_start3A_387 : memref<32x1024xf32, #tpu.memory_space<vmem>>) target(%dma_start3A_383 : memref<32x1024xf32, #tpu.memory_space<hbm>>) target_semaphore(%arg12 : memref<!tpu.dma_semaphore, #tpu.memory_space<semaphore_mem>>)
    %dma_start3A_388 = arith.constant 0 : i32
    %dma_start3A_389 = arith.constant 1 : i32
    %dma_start3A_390 = arith.constant 0 : i32
    %dma_start3A_391 = arith.constant 0 : i32
    %dma_start3A_392 = tpu.memref_slice %arg8[%dma_start3A_388, %dma_start3A_390, %dma_start3A_391] : memref<3x32x1024xf32, #tpu.memory_space<vmem>> -> memref<1x32x1024xf32, #tpu.memory_space<vmem>>
    %dma_start3A_393 = tpu.memref_squeeze %dma_start3A_392 : memref<1x32x1024xf32, #tpu.memory_space<vmem>> -> memref<32x1024xf32, #tpu.memory_space<vmem>>
    %dma_start3A_394 = arith.constant 0 : i32
    %dma_start3A_395 = tpu.memref_slice %arg5[%dma_start3A_389, %add3A_371, %dma_start3A_394] : memref<4x4096x1024xf32, #tpu.memory_space<hbm>> -> memref<1x32x1024xf32, #tpu.memory_space<hbm>>
    %dma_start3A_396 = tpu.memref_squeeze %dma_start3A_395 : memref<1x32x1024xf32, #tpu.memory_space<hbm>> -> memref<32x1024xf32, #tpu.memory_space<hbm>>
    %dma_start3A_397 = arith.constant 0 : i32
    %dma_start3A_398 = tpu.memref_slice %arg5[%dma_start3A_389, %add3A_371, %dma_start3A_397] : memref<4x4096x1024xf32, #tpu.memory_space<hbm>> -> memref<1x32x1024xf32, #tpu.memory_space<hbm>>
    %dma_start3A_399 = tpu.memref_squeeze %dma_start3A_398 : memref<1x32x1024xf32, #tpu.memory_space<hbm>> -> memref<32x1024xf32, #tpu.memory_space<hbm>>
    %dma_start3A_400 = arith.constant 0 : i32
    %dma_start3A_401 = arith.constant 0 : i32
    %dma_start3A_402 = tpu.memref_slice %arg8[%dma_start3A_388, %dma_start3A_400, %dma_start3A_401] : memref<3x32x1024xf32, #tpu.memory_space<vmem>> -> memref<1x32x1024xf32, #tpu.memory_space<vmem>>
    %dma_start3A_403 = tpu.memref_squeeze %dma_start3A_402 : memref<1x32x1024xf32, #tpu.memory_space<vmem>> -> memref<32x1024xf32, #tpu.memory_space<vmem>>
    tpu.enqueue_dma source(%dma_start3A_403 : memref<32x1024xf32, #tpu.memory_space<vmem>>) target(%dma_start3A_399 : memref<32x1024xf32, #tpu.memory_space<hbm>>) target_semaphore(%arg12 : memref<!tpu.dma_semaphore, #tpu.memory_space<semaphore_mem>>)
    %dma_start3A_404 = arith.constant 0 : i32
    %dma_start3A_405 = arith.constant 2 : i32
    %dma_start3A_406 = arith.constant 0 : i32
    %dma_start3A_407 = arith.constant 0 : i32
    %dma_start3A_408 = tpu.memref_slice %arg8[%dma_start3A_404, %dma_start3A_406, %dma_start3A_407] : memref<3x32x1024xf32, #tpu.memory_space<vmem>> -> memref<1x32x1024xf32, #tpu.memory_space<vmem>>
    %dma_start3A_409 = tpu.memref_squeeze %dma_start3A_408 : memref<1x32x1024xf32, #tpu.memory_space<vmem>> -> memref<32x1024xf32, #tpu.memory_space<vmem>>
    %dma_start3A_410 = arith.constant 0 : i32
    %dma_start3A_411 = tpu.memref_slice %arg5[%dma_start3A_405, %add3A_371, %dma_start3A_410] : memref<4x4096x1024xf32, #tpu.memory_space<hbm>> -> memref<1x32x1024xf32, #tpu.memory_space<hbm>>
    %dma_start3A_412 = tpu.memref_squeeze %dma_start3A_411 : memref<1x32x1024xf32, #tpu.memory_space<hbm>> -> memref<32x1024xf32, #tpu.memory_space<hbm>>
    %dma_start3A_413 = arith.constant 0 : i32
    %dma_start3A_414 = tpu.memref_slice %arg5[%dma_start3A_405, %add3A_371, %dma_start3A_413] : memref<4x4096x1024xf32, #tpu.memory_space<hbm>> -> memref<1x32x1024xf32, #tpu.memory_space<hbm>>
    %dma_start3A_415 = tpu.memref_squeeze %dma_start3A_414 : memref<1x32x1024xf32, #tpu.memory_space<hbm>> -> memref<32x1024xf32, #tpu.memory_space<hbm>>
    %dma_start3A_416 = arith.constant 0 : i32
    %dma_start3A_417 = arith.constant 0 : i32
    %dma_start3A_418 = tpu.memref_slice %arg8[%dma_start3A_404, %dma_start3A_416, %dma_start3A_417] : memref<3x32x1024xf32, #tpu.memory_space<vmem>> -> memref<1x32x1024xf32, #tpu.memory_space<vmem>>
    %dma_start3A_419 = tpu.memref_squeeze %dma_start3A_418 : memref<1x32x1024xf32, #tpu.memory_space<vmem>> -> memref<32x1024xf32, #tpu.memory_space<vmem>>
    tpu.enqueue_dma source(%dma_start3A_419 : memref<32x1024xf32, #tpu.memory_space<vmem>>) target(%dma_start3A_415 : memref<32x1024xf32, #tpu.memory_space<hbm>>) target_semaphore(%arg12 : memref<!tpu.dma_semaphore, #tpu.memory_space<semaphore_mem>>)
    %dma_start3A_420 = arith.constant 0 : i32
    %dma_start3A_421 = arith.constant 3 : i32
    %dma_start3A_422 = arith.constant 0 : i32
    %dma_start3A_423 = arith.constant 0 : i32
    %dma_start3A_424 = tpu.memref_slice %arg8[%dma_start3A_420, %dma_start3A_422, %dma_start3A_423] : memref<3x32x1024xf32, #tpu.memory_space<vmem>> -> memref<1x32x1024xf32, #tpu.memory_space<vmem>>
    %dma_start3A_425 = tpu.memref_squeeze %dma_start3A_424 : memref<1x32x1024xf32, #tpu.memory_space<vmem>> -> memref<32x1024xf32, #tpu.memory_space<vmem>>
    %dma_start3A_426 = arith.constant 0 : i32
    %dma_start3A_427 = tpu.memref_slice %arg5[%dma_start3A_421, %add3A_371, %dma_start3A_426] : memref<4x4096x1024xf32, #tpu.memory_space<hbm>> -> memref<1x32x1024xf32, #tpu.memory_space<hbm>>
    %dma_start3A_428 = tpu.memref_squeeze %dma_start3A_427 : memref<1x32x1024xf32, #tpu.memory_space<hbm>> -> memref<32x1024xf32, #tpu.memory_space<hbm>>
    %dma_start3A_429 = arith.constant 0 : i32
    %dma_start3A_430 = tpu.memref_slice %arg5[%dma_start3A_421, %add3A_371, %dma_start3A_429] : memref<4x4096x1024xf32, #tpu.memory_space<hbm>> -> memref<1x32x1024xf32, #tpu.memory_space<hbm>>
    %dma_start3A_431 = tpu.memref_squeeze %dma_start3A_430 : memref<1x32x1024xf32, #tpu.memory_space<hbm>> -> memref<32x1024xf32, #tpu.memory_space<hbm>>
    %dma_start3A_432 = arith.constant 0 : i32
    %dma_start3A_433 = arith.constant 0 : i32
    %dma_start3A_434 = tpu.memref_slice %arg8[%dma_start3A_420, %dma_start3A_432, %dma_start3A_433] : memref<3x32x1024xf32, #tpu.memory_space<vmem>> -> memref<1x32x1024xf32, #tpu.memory_space<vmem>>
    %dma_start3A_435 = tpu.memref_squeeze %dma_start3A_434 : memref<1x32x1024xf32, #tpu.memory_space<vmem>> -> memref<32x1024xf32, #tpu.memory_space<vmem>>
    tpu.enqueue_dma source(%dma_start3A_435 : memref<32x1024xf32, #tpu.memory_space<vmem>>) target(%dma_start3A_431 : memref<32x1024xf32, #tpu.memory_space<hbm>>) target_semaphore(%arg12 : memref<!tpu.dma_semaphore, #tpu.memory_space<semaphore_mem>>)
    %dma_wait3A_436 = arith.constant 1 : i32
    %dma_wait3A_437 = arith.constant 0 : i32
    %dma_wait3A_438 = arith.constant 0 : i32
    %dma_wait3A_439 = arith.constant 0 : i32
    %dma_wait3A_440 = tpu.memref_slice %arg8[%dma_wait3A_436, %dma_wait3A_438, %dma_wait3A_439] : memref<3x32x1024xf32, #tpu.memory_space<vmem>> -> memref<1x32x1024xf32, #tpu.memory_space<vmem>>
    %dma_wait3A_441 = tpu.memref_squeeze %dma_wait3A_440 : memref<1x32x1024xf32, #tpu.memory_space<vmem>> -> memref<32x1024xf32, #tpu.memory_space<vmem>>
    %dma_wait3A_442 = arith.constant 0 : i32
    %dma_wait3A_443 = tpu.memref_slice %arg5[%dma_wait3A_437, %add3A_145, %dma_wait3A_442] : memref<4x4096x1024xf32, #tpu.memory_space<hbm>> -> memref<1x32x1024xf32, #tpu.memory_space<hbm>>
    %dma_wait3A_444 = tpu.memref_squeeze %dma_wait3A_443 : memref<1x32x1024xf32, #tpu.memory_space<hbm>> -> memref<32x1024xf32, #tpu.memory_space<hbm>>
    %dma_wait3A_445 = arith.constant 0 : i32
    %dma_wait3A_446 = tpu.memref_slice %arg5[%dma_wait3A_437, %add3A_145, %dma_wait3A_445] : memref<4x4096x1024xf32, #tpu.memory_space<hbm>> -> memref<1x32x1024xf32, #tpu.memory_space<hbm>>
    %dma_wait3A_447 = tpu.memref_squeeze %dma_wait3A_446 : memref<1x32x1024xf32, #tpu.memory_space<hbm>> -> memref<32x1024xf32, #tpu.memory_space<hbm>>
    %dma_wait3A_448 = arith.constant 0 : i32
    %dma_wait3A_449 = arith.constant 0 : i32
    %dma_wait3A_450 = tpu.memref_slice %arg8[%dma_wait3A_436, %dma_wait3A_448, %dma_wait3A_449] : memref<3x32x1024xf32, #tpu.memory_space<vmem>> -> memref<1x32x1024xf32, #tpu.memory_space<vmem>>
    %dma_wait3A_451 = tpu.memref_squeeze %dma_wait3A_450 : memref<1x32x1024xf32, #tpu.memory_space<vmem>> -> memref<32x1024xf32, #tpu.memory_space<vmem>>
    tpu.wait_dma2 semaphore(%arg13 : memref<!tpu.dma_semaphore, #tpu.memory_space<semaphore_mem>>) src(%dma_wait3A_451 : memref<32x1024xf32, #tpu.memory_space<vmem>>) dst(%dma_wait3A_447 : memref<32x1024xf32, #tpu.memory_space<hbm>>)
    %dma_wait3A_452 = arith.constant 1 : i32
    %dma_wait3A_453 = arith.constant 1 : i32
    %dma_wait3A_454 = arith.constant 0 : i32
    %dma_wait3A_455 = arith.constant 0 : i32
    %dma_wait3A_456 = tpu.memref_slice %arg8[%dma_wait3A_452, %dma_wait3A_454, %dma_wait3A_455] : memref<3x32x1024xf32, #tpu.memory_space<vmem>> -> memref<1x32x1024xf32, #tpu.memory_space<vmem>>
    %dma_wait3A_457 = tpu.memref_squeeze %dma_wait3A_456 : memref<1x32x1024xf32, #tpu.memory_space<vmem>> -> memref<32x1024xf32, #tpu.memory_space<vmem>>
    %dma_wait3A_458 = arith.constant 0 : i32
    %dma_wait3A_459 = tpu.memref_slice %arg5[%dma_wait3A_453, %add3A_145, %dma_wait3A_458] : memref<4x4096x1024xf32, #tpu.memory_space<hbm>> -> memref<1x32x1024xf32, #tpu.memory_space<hbm>>
    %dma_wait3A_460 = tpu.memref_squeeze %dma_wait3A_459 : memref<1x32x1024xf32, #tpu.memory_space<hbm>> -> memref<32x1024xf32, #tpu.memory_space<hbm>>
    %dma_wait3A_461 = arith.constant 0 : i32
    %dma_wait3A_462 = tpu.memref_slice %arg5[%dma_wait3A_453, %add3A_145, %dma_wait3A_461] : memref<4x4096x1024xf32, #tpu.memory_space<hbm>> -> memref<1x32x1024xf32, #tpu.memory_space<hbm>>
    %dma_wait3A_463 = tpu.memref_squeeze %dma_wait3A_462 : memref<1x32x1024xf32, #tpu.memory_space<hbm>> -> memref<32x1024xf32, #tpu.memory_space<hbm>>
    %dma_wait3A_464 = arith.constant 0 : i32
    %dma_wait3A_465 = arith.constant 0 : i32
    %dma_wait3A_466 = tpu.memref_slice %arg8[%dma_wait3A_452, %dma_wait3A_464, %dma_wait3A_465] : memref<3x32x1024xf32, #tpu.memory_space<vmem>> -> memref<1x32x1024xf32, #tpu.memory_space<vmem>>
    %dma_wait3A_467 = tpu.memref_squeeze %dma_wait3A_466 : memref<1x32x1024xf32, #tpu.memory_space<vmem>> -> memref<32x1024xf32, #tpu.memory_space<vmem>>
    tpu.wait_dma2 semaphore(%arg13 : memref<!tpu.dma_semaphore, #tpu.memory_space<semaphore_mem>>) src(%dma_wait3A_467 : memref<32x1024xf32, #tpu.memory_space<vmem>>) dst(%dma_wait3A_463 : memref<32x1024xf32, #tpu.memory_space<hbm>>)
    %dma_wait3A_468 = arith.constant 1 : i32
    %dma_wait3A_469 = arith.constant 2 : i32
    %dma_wait3A_470 = arith.constant 0 : i32
    %dma_wait3A_471 = arith.constant 0 : i32
    %dma_wait3A_472 = tpu.memref_slice %arg8[%dma_wait3A_468, %dma_wait3A_470, %dma_wait3A_471] : memref<3x32x1024xf32, #tpu.memory_space<vmem>> -> memref<1x32x1024xf32, #tpu.memory_space<vmem>>
    %dma_wait3A_473 = tpu.memref_squeeze %dma_wait3A_472 : memref<1x32x1024xf32, #tpu.memory_space<vmem>> -> memref<32x1024xf32, #tpu.memory_space<vmem>>
    %dma_wait3A_474 = arith.constant 0 : i32
    %dma_wait3A_475 = tpu.memref_slice %arg5[%dma_wait3A_469, %add3A_145, %dma_wait3A_474] : memref<4x4096x1024xf32, #tpu.memory_space<hbm>> -> memref<1x32x1024xf32, #tpu.memory_space<hbm>>
    %dma_wait3A_476 = tpu.memref_squeeze %dma_wait3A_475 : memref<1x32x1024xf32, #tpu.memory_space<hbm>> -> memref<32x1024xf32, #tpu.memory_space<hbm>>
    %dma_wait3A_477 = arith.constant 0 : i32
    %dma_wait3A_478 = tpu.memref_slice %arg5[%dma_wait3A_469, %add3A_145, %dma_wait3A_477] : memref<4x4096x1024xf32, #tpu.memory_space<hbm>> -> memref<1x32x1024xf32, #tpu.memory_space<hbm>>
    %dma_wait3A_479 = tpu.memref_squeeze %dma_wait3A_478 : memref<1x32x1024xf32, #tpu.memory_space<hbm>> -> memref<32x1024xf32, #tpu.memory_space<hbm>>
    %dma_wait3A_480 = arith.constant 0 : i32
    %dma_wait3A_481 = arith.constant 0 : i32
    %dma_wait3A_482 = tpu.memref_slice %arg8[%dma_wait3A_468, %dma_wait3A_480, %dma_wait3A_481] : memref<3x32x1024xf32, #tpu.memory_space<vmem>> -> memref<1x32x1024xf32, #tpu.memory_space<vmem>>
    %dma_wait3A_483 = tpu.memref_squeeze %dma_wait3A_482 : memref<1x32x1024xf32, #tpu.memory_space<vmem>> -> memref<32x1024xf32, #tpu.memory_space<vmem>>
    tpu.wait_dma2 semaphore(%arg13 : memref<!tpu.dma_semaphore, #tpu.memory_space<semaphore_mem>>) src(%dma_wait3A_483 : memref<32x1024xf32, #tpu.memory_space<vmem>>) dst(%dma_wait3A_479 : memref<32x1024xf32, #tpu.memory_space<hbm>>)
    %dma_wait3A_484 = arith.constant 1 : i32
    %dma_wait3A_485 = arith.constant 3 : i32
    %dma_wait3A_486 = arith.constant 0 : i32
    %dma_wait3A_487 = arith.constant 0 : i32
    %dma_wait3A_488 = tpu.memref_slice %arg8[%dma_wait3A_484, %dma_wait3A_486, %dma_wait3A_487] : memref<3x32x1024xf32, #tpu.memory_space<vmem>> -> memref<1x32x1024xf32, #tpu.memory_space<vmem>>
    %dma_wait3A_489 = tpu.memref_squeeze %dma_wait3A_488 : memref<1x32x1024xf32, #tpu.memory_space<vmem>> -> memref<32x1024xf32, #tpu.memory_space<vmem>>
    %dma_wait3A_490 = arith.constant 0 : i32
    %dma_wait3A_491 = tpu.memref_slice %arg5[%dma_wait3A_485, %add3A_145, %dma_wait3A_490] : memref<4x4096x1024xf32, #tpu.memory_space<hbm>> -> memref<1x32x1024xf32, #tpu.memory_space<hbm>>
    %dma_wait3A_492 = tpu.memref_squeeze %dma_wait3A_491 : memref<1x32x1024xf32, #tpu.memory_space<hbm>> -> memref<32x1024xf32, #tpu.memory_space<hbm>>
    %dma_wait3A_493 = arith.constant 0 : i32
    %dma_wait3A_494 = tpu.memref_slice %arg5[%dma_wait3A_485, %add3A_145, %dma_wait3A_493] : memref<4x4096x1024xf32, #tpu.memory_space<hbm>> -> memref<1x32x1024xf32, #tpu.memory_space<hbm>>
    %dma_wait3A_495 = tpu.memref_squeeze %dma_wait3A_494 : memref<1x32x1024xf32, #tpu.memory_space<hbm>> -> memref<32x1024xf32, #tpu.memory_space<hbm>>
    %dma_wait3A_496 = arith.constant 0 : i32
    %dma_wait3A_497 = arith.constant 0 : i32
    %dma_wait3A_498 = tpu.memref_slice %arg8[%dma_wait3A_484, %dma_wait3A_496, %dma_wait3A_497] : memref<3x32x1024xf32, #tpu.memory_space<vmem>> -> memref<1x32x1024xf32, #tpu.memory_space<vmem>>
    %dma_wait3A_499 = tpu.memref_squeeze %dma_wait3A_498 : memref<1x32x1024xf32, #tpu.memory_space<vmem>> -> memref<32x1024xf32, #tpu.memory_space<vmem>>
    tpu.wait_dma2 semaphore(%arg13 : memref<!tpu.dma_semaphore, #tpu.memory_space<semaphore_mem>>) src(%dma_wait3A_499 : memref<32x1024xf32, #tpu.memory_space<vmem>>) dst(%dma_wait3A_495 : memref<32x1024xf32, #tpu.memory_space<hbm>>)
    %dma_wait3A_500 = arith.constant 2 : i32
    %dma_wait3A_501 = arith.constant 0 : i32
    %dma_wait3A_502 = arith.constant 0 : i32
    %dma_wait3A_503 = arith.constant 0 : i32
    %dma_wait3A_504 = tpu.memref_slice %arg8[%dma_wait3A_500, %dma_wait3A_502, %dma_wait3A_503] : memref<3x32x1024xf32, #tpu.memory_space<vmem>> -> memref<1x32x1024xf32, #tpu.memory_space<vmem>>
    %dma_wait3A_505 = tpu.memref_squeeze %dma_wait3A_504 : memref<1x32x1024xf32, #tpu.memory_space<vmem>> -> memref<32x1024xf32, #tpu.memory_space<vmem>>
    %dma_wait3A_506 = arith.constant 0 : i32
    %dma_wait3A_507 = tpu.memref_slice %arg5[%dma_wait3A_501, %add3A_295, %dma_wait3A_506] : memref<4x4096x1024xf32, #tpu.memory_space<hbm>> -> memref<1x32x1024xf32, #tpu.memory_space<hbm>>
    %dma_wait3A_508 = tpu.memref_squeeze %dma_wait3A_507 : memref<1x32x1024xf32, #tpu.memory_space<hbm>> -> memref<32x1024xf32, #tpu.memory_space<hbm>>
    %dma_wait3A_509 = arith.constant 0 : i32
    %dma_wait3A_510 = tpu.memref_slice %arg5[%dma_wait3A_501, %add3A_295, %dma_wait3A_509] : memref<4x4096x1024xf32, #tpu.memory_space<hbm>> -> memref<1x32x1024xf32, #tpu.memory_space<hbm>>
    %dma_wait3A_511 = tpu.memref_squeeze %dma_wait3A_510 : memref<1x32x1024xf32, #tpu.memory_space<hbm>> -> memref<32x1024xf32, #tpu.memory_space<hbm>>
    %dma_wait3A_512 = arith.constant 0 : i32
    %dma_wait3A_513 = arith.constant 0 : i32
    %dma_wait3A_514 = tpu.memref_slice %arg8[%dma_wait3A_500, %dma_wait3A_512, %dma_wait3A_513] : memref<3x32x1024xf32, #tpu.memory_space<vmem>> -> memref<1x32x1024xf32, #tpu.memory_space<vmem>>
    %dma_wait3A_515 = tpu.memref_squeeze %dma_wait3A_514 : memref<1x32x1024xf32, #tpu.memory_space<vmem>> -> memref<32x1024xf32, #tpu.memory_space<vmem>>
    tpu.wait_dma2 semaphore(%arg14 : memref<!tpu.dma_semaphore, #tpu.memory_space<semaphore_mem>>) src(%dma_wait3A_515 : memref<32x1024xf32, #tpu.memory_space<vmem>>) dst(%dma_wait3A_511 : memref<32x1024xf32, #tpu.memory_space<hbm>>)
    %dma_wait3A_516 = arith.constant 2 : i32
    %dma_wait3A_517 = arith.constant 1 : i32
    %dma_wait3A_518 = arith.constant 0 : i32
    %dma_wait3A_519 = arith.constant 0 : i32
    %dma_wait3A_520 = tpu.memref_slice %arg8[%dma_wait3A_516, %dma_wait3A_518, %dma_wait3A_519] : memref<3x32x1024xf32, #tpu.memory_space<vmem>> -> memref<1x32x1024xf32, #tpu.memory_space<vmem>>
    %dma_wait3A_521 = tpu.memref_squeeze %dma_wait3A_520 : memref<1x32x1024xf32, #tpu.memory_space<vmem>> -> memref<32x1024xf32, #tpu.memory_space<vmem>>
    %dma_wait3A_522 = arith.constant 0 : i32
    %dma_wait3A_523 = tpu.memref_slice %arg5[%dma_wait3A_517, %add3A_295, %dma_wait3A_522] : memref<4x4096x1024xf32, #tpu.memory_space<hbm>> -> memref<1x32x1024xf32, #tpu.memory_space<hbm>>
    %dma_wait3A_524 = tpu.memref_squeeze %dma_wait3A_523 : memref<1x32x1024xf32, #tpu.memory_space<hbm>> -> memref<32x1024xf32, #tpu.memory_space<hbm>>
    %dma_wait3A_525 = arith.constant 0 : i32
    %dma_wait3A_526 = tpu.memref_slice %arg5[%dma_wait3A_517, %add3A_295, %dma_wait3A_525] : memref<4x4096x1024xf32, #tpu.memory_space<hbm>> -> memref<1x32x1024xf32, #tpu.memory_space<hbm>>
    %dma_wait3A_527 = tpu.memref_squeeze %dma_wait3A_526 : memref<1x32x1024xf32, #tpu.memory_space<hbm>> -> memref<32x1024xf32, #tpu.memory_space<hbm>>
    %dma_wait3A_528 = arith.constant 0 : i32
    %dma_wait3A_529 = arith.constant 0 : i32
    %dma_wait3A_530 = tpu.memref_slice %arg8[%dma_wait3A_516, %dma_wait3A_528, %dma_wait3A_529] : memref<3x32x1024xf32, #tpu.memory_space<vmem>> -> memref<1x32x1024xf32, #tpu.memory_space<vmem>>
    %dma_wait3A_531 = tpu.memref_squeeze %dma_wait3A_530 : memref<1x32x1024xf32, #tpu.memory_space<vmem>> -> memref<32x1024xf32, #tpu.memory_space<vmem>>
    tpu.wait_dma2 semaphore(%arg14 : memref<!tpu.dma_semaphore, #tpu.memory_space<semaphore_mem>>) src(%dma_wait3A_531 : memref<32x1024xf32, #tpu.memory_space<vmem>>) dst(%dma_wait3A_527 : memref<32x1024xf32, #tpu.memory_space<hbm>>)
    %dma_wait3A_532 = arith.constant 2 : i32
    %dma_wait3A_533 = arith.constant 2 : i32
    %dma_wait3A_534 = arith.constant 0 : i32
    %dma_wait3A_535 = arith.constant 0 : i32
    %dma_wait3A_536 = tpu.memref_slice %arg8[%dma_wait3A_532, %dma_wait3A_534, %dma_wait3A_535] : memref<3x32x1024xf32, #tpu.memory_space<vmem>> -> memref<1x32x1024xf32, #tpu.memory_space<vmem>>
    %dma_wait3A_537 = tpu.memref_squeeze %dma_wait3A_536 : memref<1x32x1024xf32, #tpu.memory_space<vmem>> -> memref<32x1024xf32, #tpu.memory_space<vmem>>
    %dma_wait3A_538 = arith.constant 0 : i32
    %dma_wait3A_539 = tpu.memref_slice %arg5[%dma_wait3A_533, %add3A_295, %dma_wait3A_538] : memref<4x4096x1024xf32, #tpu.memory_space<hbm>> -> memref<1x32x1024xf32, #tpu.memory_space<hbm>>
    %dma_wait3A_540 = tpu.memref_squeeze %dma_wait3A_539 : memref<1x32x1024xf32, #tpu.memory_space<hbm>> -> memref<32x1024xf32, #tpu.memory_space<hbm>>
    %dma_wait3A_541 = arith.constant 0 : i32
    %dma_wait3A_542 = tpu.memref_slice %arg5[%dma_wait3A_533, %add3A_295, %dma_wait3A_541] : memref<4x4096x1024xf32, #tpu.memory_space<hbm>> -> memref<1x32x1024xf32, #tpu.memory_space<hbm>>
    %dma_wait3A_543 = tpu.memref_squeeze %dma_wait3A_542 : memref<1x32x1024xf32, #tpu.memory_space<hbm>> -> memref<32x1024xf32, #tpu.memory_space<hbm>>
    %dma_wait3A_544 = arith.constant 0 : i32
    %dma_wait3A_545 = arith.constant 0 : i32
    %dma_wait3A_546 = tpu.memref_slice %arg8[%dma_wait3A_532, %dma_wait3A_544, %dma_wait3A_545] : memref<3x32x1024xf32, #tpu.memory_space<vmem>> -> memref<1x32x1024xf32, #tpu.memory_space<vmem>>
    %dma_wait3A_547 = tpu.memref_squeeze %dma_wait3A_546 : memref<1x32x1024xf32, #tpu.memory_space<vmem>> -> memref<32x1024xf32, #tpu.memory_space<vmem>>
    tpu.wait_dma2 semaphore(%arg14 : memref<!tpu.dma_semaphore, #tpu.memory_space<semaphore_mem>>) src(%dma_wait3A_547 : memref<32x1024xf32, #tpu.memory_space<vmem>>) dst(%dma_wait3A_543 : memref<32x1024xf32, #tpu.memory_space<hbm>>)
    %dma_wait3A_548 = arith.constant 2 : i32
    %dma_wait3A_549 = arith.constant 3 : i32
    %dma_wait3A_550 = arith.constant 0 : i32
    %dma_wait3A_551 = arith.constant 0 : i32
    %dma_wait3A_552 = tpu.memref_slice %arg8[%dma_wait3A_548, %dma_wait3A_550, %dma_wait3A_551] : memref<3x32x1024xf32, #tpu.memory_space<vmem>> -> memref<1x32x1024xf32, #tpu.memory_space<vmem>>
    %dma_wait3A_553 = tpu.memref_squeeze %dma_wait3A_552 : memref<1x32x1024xf32, #tpu.memory_space<vmem>> -> memref<32x1024xf32, #tpu.memory_space<vmem>>
    %dma_wait3A_554 = arith.constant 0 : i32
    %dma_wait3A_555 = tpu.memref_slice %arg5[%dma_wait3A_549, %add3A_295, %dma_wait3A_554] : memref<4x4096x1024xf32, #tpu.memory_space<hbm>> -> memref<1x32x1024xf32, #tpu.memory_space<hbm>>
    %dma_wait3A_556 = tpu.memref_squeeze %dma_wait3A_555 : memref<1x32x1024xf32, #tpu.memory_space<hbm>> -> memref<32x1024xf32, #tpu.memory_space<hbm>>
    %dma_wait3A_557 = arith.constant 0 : i32
    %dma_wait3A_558 = tpu.memref_slice %arg5[%dma_wait3A_549, %add3A_295, %dma_wait3A_557] : memref<4x4096x1024xf32, #tpu.memory_space<hbm>> -> memref<1x32x1024xf32, #tpu.memory_space<hbm>>
    %dma_wait3A_559 = tpu.memref_squeeze %dma_wait3A_558 : memref<1x32x1024xf32, #tpu.memory_space<hbm>> -> memref<32x1024xf32, #tpu.memory_space<hbm>>
    %dma_wait3A_560 = arith.constant 0 : i32
    %dma_wait3A_561 = arith.constant 0 : i32
    %dma_wait3A_562 = tpu.memref_slice %arg8[%dma_wait3A_548, %dma_wait3A_560, %dma_wait3A_561] : memref<3x32x1024xf32, #tpu.memory_space<vmem>> -> memref<1x32x1024xf32, #tpu.memory_space<vmem>>
    %dma_wait3A_563 = tpu.memref_squeeze %dma_wait3A_562 : memref<1x32x1024xf32, #tpu.memory_space<vmem>> -> memref<32x1024xf32, #tpu.memory_space<vmem>>
    tpu.wait_dma2 semaphore(%arg14 : memref<!tpu.dma_semaphore, #tpu.memory_space<semaphore_mem>>) src(%dma_wait3A_563 : memref<32x1024xf32, #tpu.memory_space<vmem>>) dst(%dma_wait3A_559 : memref<32x1024xf32, #tpu.memory_space<hbm>>)
    %dma_wait3A_564 = arith.constant 0 : i32
    %dma_wait3A_565 = arith.constant 0 : i32
    %dma_wait3A_566 = arith.constant 0 : i32
    %dma_wait3A_567 = arith.constant 0 : i32
    %dma_wait3A_568 = tpu.memref_slice %arg8[%dma_wait3A_564, %dma_wait3A_566, %dma_wait3A_567] : memref<3x32x1024xf32, #tpu.memory_space<vmem>> -> memref<1x32x1024xf32, #tpu.memory_space<vmem>>
    %dma_wait3A_569 = tpu.memref_squeeze %dma_wait3A_568 : memref<1x32x1024xf32, #tpu.memory_space<vmem>> -> memref<32x1024xf32, #tpu.memory_space<vmem>>
    %dma_wait3A_570 = arith.constant 0 : i32
    %dma_wait3A_571 = tpu.memref_slice %arg5[%dma_wait3A_565, %add3A_371, %dma_wait3A_570] : memref<4x4096x1024xf32, #tpu.memory_space<hbm>> -> memref<1x32x1024xf32, #tpu.memory_space<hbm>>
    %dma_wait3A_572 = tpu.memref_squeeze %dma_wait3A_571 : memref<1x32x1024xf32, #tpu.memory_space<hbm>> -> memref<32x1024xf32, #tpu.memory_space<hbm>>
    %dma_wait3A_573 = arith.constant 0 : i32
    %dma_wait3A_574 = tpu.memref_slice %arg5[%dma_wait3A_565, %add3A_371, %dma_wait3A_573] : memref<4x4096x1024xf32, #tpu.memory_space<hbm>> -> memref<1x32x1024xf32, #tpu.memory_space<hbm>>
    %dma_wait3A_575 = tpu.memref_squeeze %dma_wait3A_574 : memref<1x32x1024xf32, #tpu.memory_space<hbm>> -> memref<32x1024xf32, #tpu.memory_space<hbm>>
    %dma_wait3A_576 = arith.constant 0 : i32
    %dma_wait3A_577 = arith.constant 0 : i32
    %dma_wait3A_578 = tpu.memref_slice %arg8[%dma_wait3A_564, %dma_wait3A_576, %dma_wait3A_577] : memref<3x32x1024xf32, #tpu.memory_space<vmem>> -> memref<1x32x1024xf32, #tpu.memory_space<vmem>>
    %dma_wait3A_579 = tpu.memref_squeeze %dma_wait3A_578 : memref<1x32x1024xf32, #tpu.memory_space<vmem>> -> memref<32x1024xf32, #tpu.memory_space<vmem>>
    tpu.wait_dma2 semaphore(%arg12 : memref<!tpu.dma_semaphore, #tpu.memory_space<semaphore_mem>>) src(%dma_wait3A_579 : memref<32x1024xf32, #tpu.memory_space<vmem>>) dst(%dma_wait3A_575 : memref<32x1024xf32, #tpu.memory_space<hbm>>)
    %dma_wait3A_580 = arith.constant 0 : i32
    %dma_wait3A_581 = arith.constant 1 : i32
    %dma_wait3A_582 = arith.constant 0 : i32
    %dma_wait3A_583 = arith.constant 0 : i32
    %dma_wait3A_584 = tpu.memref_slice %arg8[%dma_wait3A_580, %dma_wait3A_582, %dma_wait3A_583] : memref<3x32x1024xf32, #tpu.memory_space<vmem>> -> memref<1x32x1024xf32, #tpu.memory_space<vmem>>
    %dma_wait3A_585 = tpu.memref_squeeze %dma_wait3A_584 : memref<1x32x1024xf32, #tpu.memory_space<vmem>> -> memref<32x1024xf32, #tpu.memory_space<vmem>>
    %dma_wait3A_586 = arith.constant 0 : i32
    %dma_wait3A_587 = tpu.memref_slice %arg5[%dma_wait3A_581, %add3A_371, %dma_wait3A_586] : memref<4x4096x1024xf32, #tpu.memory_space<hbm>> -> memref<1x32x1024xf32, #tpu.memory_space<hbm>>
    %dma_wait3A_588 = tpu.memref_squeeze %dma_wait3A_587 : memref<1x32x1024xf32, #tpu.memory_space<hbm>> -> memref<32x1024xf32, #tpu.memory_space<hbm>>
    %dma_wait3A_589 = arith.constant 0 : i32
    %dma_wait3A_590 = tpu.memref_slice %arg5[%dma_wait3A_581, %add3A_371, %dma_wait3A_589] : memref<4x4096x1024xf32, #tpu.memory_space<hbm>> -> memref<1x32x1024xf32, #tpu.memory_space<hbm>>
    %dma_wait3A_591 = tpu.memref_squeeze %dma_wait3A_590 : memref<1x32x1024xf32, #tpu.memory_space<hbm>> -> memref<32x1024xf32, #tpu.memory_space<hbm>>
    %dma_wait3A_592 = arith.constant 0 : i32
    %dma_wait3A_593 = arith.constant 0 : i32
    %dma_wait3A_594 = tpu.memref_slice %arg8[%dma_wait3A_580, %dma_wait3A_592, %dma_wait3A_593] : memref<3x32x1024xf32, #tpu.memory_space<vmem>> -> memref<1x32x1024xf32, #tpu.memory_space<vmem>>
    %dma_wait3A_595 = tpu.memref_squeeze %dma_wait3A_594 : memref<1x32x1024xf32, #tpu.memory_space<vmem>> -> memref<32x1024xf32, #tpu.memory_space<vmem>>
    tpu.wait_dma2 semaphore(%arg12 : memref<!tpu.dma_semaphore, #tpu.memory_space<semaphore_mem>>) src(%dma_wait3A_595 : memref<32x1024xf32, #tpu.memory_space<vmem>>) dst(%dma_wait3A_591 : memref<32x1024xf32, #tpu.memory_space<hbm>>)
    %dma_wait3A_596 = arith.constant 0 : i32
    %dma_wait3A_597 = arith.constant 2 : i32
    %dma_wait3A_598 = arith.constant 0 : i32
    %dma_wait3A_599 = arith.constant 0 : i32
    %dma_wait3A_600 = tpu.memref_slice %arg8[%dma_wait3A_596, %dma_wait3A_598, %dma_wait3A_599] : memref<3x32x1024xf32, #tpu.memory_space<vmem>> -> memref<1x32x1024xf32, #tpu.memory_space<vmem>>
    %dma_wait3A_601 = tpu.memref_squeeze %dma_wait3A_600 : memref<1x32x1024xf32, #tpu.memory_space<vmem>> -> memref<32x1024xf32, #tpu.memory_space<vmem>>
    %dma_wait3A_602 = arith.constant 0 : i32
    %dma_wait3A_603 = tpu.memref_slice %arg5[%dma_wait3A_597, %add3A_371, %dma_wait3A_602] : memref<4x4096x1024xf32, #tpu.memory_space<hbm>> -> memref<1x32x1024xf32, #tpu.memory_space<hbm>>
    %dma_wait3A_604 = tpu.memref_squeeze %dma_wait3A_603 : memref<1x32x1024xf32, #tpu.memory_space<hbm>> -> memref<32x1024xf32, #tpu.memory_space<hbm>>
    %dma_wait3A_605 = arith.constant 0 : i32
    %dma_wait3A_606 = tpu.memref_slice %arg5[%dma_wait3A_597, %add3A_371, %dma_wait3A_605] : memref<4x4096x1024xf32, #tpu.memory_space<hbm>> -> memref<1x32x1024xf32, #tpu.memory_space<hbm>>
    %dma_wait3A_607 = tpu.memref_squeeze %dma_wait3A_606 : memref<1x32x1024xf32, #tpu.memory_space<hbm>> -> memref<32x1024xf32, #tpu.memory_space<hbm>>
    %dma_wait3A_608 = arith.constant 0 : i32
    %dma_wait3A_609 = arith.constant 0 : i32
    %dma_wait3A_610 = tpu.memref_slice %arg8[%dma_wait3A_596, %dma_wait3A_608, %dma_wait3A_609] : memref<3x32x1024xf32, #tpu.memory_space<vmem>> -> memref<1x32x1024xf32, #tpu.memory_space<vmem>>
    %dma_wait3A_611 = tpu.memref_squeeze %dma_wait3A_610 : memref<1x32x1024xf32, #tpu.memory_space<vmem>> -> memref<32x1024xf32, #tpu.memory_space<vmem>>
    tpu.wait_dma2 semaphore(%arg12 : memref<!tpu.dma_semaphore, #tpu.memory_space<semaphore_mem>>) src(%dma_wait3A_611 : memref<32x1024xf32, #tpu.memory_space<vmem>>) dst(%dma_wait3A_607 : memref<32x1024xf32, #tpu.memory_space<hbm>>)
    %dma_wait3A_612 = arith.constant 0 : i32
    %dma_wait3A_613 = arith.constant 3 : i32
    %dma_wait3A_614 = arith.constant 0 : i32
    %dma_wait3A_615 = arith.constant 0 : i32
    %dma_wait3A_616 = tpu.memref_slice %arg8[%dma_wait3A_612, %dma_wait3A_614, %dma_wait3A_615] : memref<3x32x1024xf32, #tpu.memory_space<vmem>> -> memref<1x32x1024xf32, #tpu.memory_space<vmem>>
    %dma_wait3A_617 = tpu.memref_squeeze %dma_wait3A_616 : memref<1x32x1024xf32, #tpu.memory_space<vmem>> -> memref<32x1024xf32, #tpu.memory_space<vmem>>
    %dma_wait3A_618 = arith.constant 0 : i32
    %dma_wait3A_619 = tpu.memref_slice %arg5[%dma_wait3A_613, %add3A_371, %dma_wait3A_618] : memref<4x4096x1024xf32, #tpu.memory_space<hbm>> -> memref<1x32x1024xf32, #tpu.memory_space<hbm>>
    %dma_wait3A_620 = tpu.memref_squeeze %dma_wait3A_619 : memref<1x32x1024xf32, #tpu.memory_space<hbm>> -> memref<32x1024xf32, #tpu.memory_space<hbm>>
    %dma_wait3A_621 = arith.constant 0 : i32
    %dma_wait3A_622 = tpu.memref_slice %arg5[%dma_wait3A_613, %add3A_371, %dma_wait3A_621] : memref<4x4096x1024xf32, #tpu.memory_space<hbm>> -> memref<1x32x1024xf32, #tpu.memory_space<hbm>>
    %dma_wait3A_623 = tpu.memref_squeeze %dma_wait3A_622 : memref<1x32x1024xf32, #tpu.memory_space<hbm>> -> memref<32x1024xf32, #tpu.memory_space<hbm>>
    %dma_wait3A_624 = arith.constant 0 : i32
    %dma_wait3A_625 = arith.constant 0 : i32
    %dma_wait3A_626 = tpu.memref_slice %arg8[%dma_wait3A_612, %dma_wait3A_624, %dma_wait3A_625] : memref<3x32x1024xf32, #tpu.memory_space<vmem>> -> memref<1x32x1024xf32, #tpu.memory_space<vmem>>
    %dma_wait3A_627 = tpu.memref_squeeze %dma_wait3A_626 : memref<1x32x1024xf32, #tpu.memory_space<vmem>> -> memref<32x1024xf32, #tpu.memory_space<vmem>>
    tpu.wait_dma2 semaphore(%arg12 : memref<!tpu.dma_semaphore, #tpu.memory_space<semaphore_mem>>) src(%dma_wait3A_627 : memref<32x1024xf32, #tpu.memory_space<vmem>>) dst(%dma_wait3A_623 : memref<32x1024xf32, #tpu.memory_space<hbm>>)
    %dma_wait3A_628 = arith.constant 0 : i32
    %dma_wait3A_629 = arith.constant 0 : i32
    %dma_wait3A_630 = tpu.memref_slice %arg3[%dma_wait3A_628, %dma_wait3A_629] : memref<4099x1024xf32, #tpu.memory_space<hbm>> -> memref<8x1024xf32, #tpu.memory_space<hbm>>
    %dma_wait3A_631 = arith.constant 0 : i32
    %dma_wait3A_632 = arith.constant 0 : i32
    %dma_wait3A_633 = tpu.memref_slice %arg3[%dma_wait3A_631, %dma_wait3A_632] : memref<4099x1024xf32, #tpu.memory_space<hbm>> -> memref<8x1024xf32, #tpu.memory_space<hbm>>
    tpu.wait_dma2 semaphore(%arg15 : memref<!tpu.dma_semaphore, #tpu.memory_space<semaphore_mem>>) src(%dma_wait3A_633 : memref<8x1024xf32, #tpu.memory_space<hbm>>) dst(%arg9 : memref<8x1024xf32, #tpu.memory_space<vmem>>)
    %ne3A = arith.constant 0 : i32
    %ne3A_634 = arith.cmpi ne, %reduce_sum3A_123, %ne3A : i32
    %convert_element_type3A = arith.extui %ne3A_634 : i1 to i32
    %cond3A = arith.constant 0 : i32
    %cond3A_635 = arith.cmpi ne, %convert_element_type3A, %cond3A : i32
    scf.if %cond3A_635 {
      %scan3A_636 = arith.constant 0 : i32
      %scan3A_637 = arith.constant 0 : i32
      %scan3A_638 = arith.constant 32 : i32
      %scan3A_639 = arith.addi %scan3A_637, %scan3A_638 : i32
      %scan3A_640 = arith.constant 1 : i32
      %scan3A_641 = scf.for %scan3A_643 = %scan3A_637 to %scan3A_639 step %scan3A_640 iter_args(%scan3A_644 = %scan3A_636) -> (i32)  : i32 {
        %jit3A = arith.constant 8 : i32
        %div3A = arith.divsi %scan3A_643, %jit3A : i32
        %sign3A = arith.constant 0 : i32
        %sign3A_645 = arith.cmpi sgt, %scan3A_643, %sign3A : i32
        %sign3A_646 = arith.extui %sign3A_645 : i1 to i32
        %sign3A_647 = arith.constant 0 : i32
        %sign3A_648 = arith.cmpi slt, %scan3A_643, %sign3A_647 : i32
        %sign3A_649 = arith.extui %sign3A_648 : i1 to i32
        %sign3A_650 = arith.subi %sign3A_646, %sign3A_649 : i32
        %sign3A_651 = arith.constant 0 : i32
        %sign3A_652 = arith.cmpi sgt, %jit3A, %sign3A_651 : i32
        %sign3A_653 = arith.extui %sign3A_652 : i1 to i32
        %sign3A_654 = arith.constant 0 : i32
        %sign3A_655 = arith.cmpi slt, %jit3A, %sign3A_654 : i32
        %sign3A_656 = arith.extui %sign3A_655 : i1 to i32
        %sign3A_657 = arith.subi %sign3A_653, %sign3A_656 : i32
        %ne3A_658 = arith.cmpi ne, %sign3A_650, %sign3A_657 : i32
        %rem3A = arith.remsi %scan3A_643, %jit3A : i32
        %ne3A_659 = arith.constant 0 : i32
        %ne3A_660 = arith.cmpi ne, %rem3A, %ne3A_659 : i32
        %and3A = arith.andi %ne3A_658, %ne3A_660 : i1
        %sub3A = arith.constant 1 : i32
        %sub3A_661 = arith.subi %div3A, %sub3A : i32
        %select_n3A = arith.select %and3A, %sub3A_661, %div3A : i32
        %mul3A_662 = arith.constant 8 : i32
        %mul3A_663 = arith.muli %select_n3A, %mul3A_662 : i32
        %sub3A_664 = arith.subi %scan3A_643, %mul3A_663 : i32
        %mul3A_665 = arith.constant 16 : i32
        %mul3A_666 = arith.muli %sub3A_664, %mul3A_665 : i32
        %add3A_667 = arith.addi %mul3A_2, %mul3A_666 : i32
        %mul3A_668 = arith.constant 16 : i32
        %mul3A_669 = arith.muli %sub3A_664, %mul3A_668 : i32
        %get3A = arith.index_cast %select_n3A : i32 to index
        %get3A_670 = arith.index_cast %mul3A_669 : i32 to index
        %get3A_671 = tpu.vector_load %arg6[%get3A, %get3A_670] {strides = array<i32>} : memref<4x128xi32, #tpu.memory_space<vmem>>, vector<16xi32>,
        %eq3A = arith.constant 1 : i32
        %eq3A_672 = vector.broadcast %eq3A : i32 to vector<16xi32>
        %eq3A_673 = arith.cmpi eq, %get3A_671, %eq3A_672 : vector<16xi32>
        %jit3A_674 = arith.constant 1 : i32
        %jit3A_675 = arith.constant 0 : i32
        %broadcast_in_dim3A_676 = vector.broadcast %jit3A_674 : i32 to vector<16xi32>
        %broadcast_in_dim3A_677 = vector.broadcast %jit3A_675 : i32 to vector<16xi32>
        %select_n3A_678 = arith.select %eq3A_673, %broadcast_in_dim3A_676, %broadcast_in_dim3A_677 : vector<16xi1>, vector<16xi32>
        %reduce_sum3A_679 = arith.constant true
        %reduce_sum3A_680 = vector.broadcast %reduce_sum3A_679 : i1 to vector<16xi1>
        %reduce_sum3A_681 = tpu.scan <sum>, %select_n3A_678 masked %reduce_sum3A_680 : vector<16xi32>, vector<16xi1> -> vector<16xi32>
        %reduce_sum3A_682 = vector.extract %reduce_sum3A_681[15] : i32 from vector<16xi32>
        %ne3A_683 = arith.constant 0 : i32
        %ne3A_684 = arith.cmpi ne, %reduce_sum3A_682, %ne3A_683 : i32
        %convert_element_type3A_685 = arith.extui %ne3A_684 : i1 to i32
        %cond3A_686 = arith.constant 0 : i32
        %cond3A_687 = arith.cmpi ne, %convert_element_type3A_685, %cond3A_686 : i32
        scf.if %cond3A_687 {
          "tpu.region"() ({
            %run_scoped3A = tpu.sem_alloc : memref<!tpu.dma_semaphore, #tpu.memory_space<semaphore_mem>>
            %dma_start3A_696 = arith.constant 0 : i32
            %dma_start3A_697 = tpu.memref_slice %arg5[%select_n3A, %add3A_667, %dma_start3A_696] : memref<4x4096x1024xf32, #tpu.memory_space<hbm>> -> memref<1x16x1024xf32, #tpu.memory_space<hbm>>
            %dma_start3A_698 = tpu.memref_squeeze %dma_start3A_697 : memref<1x16x1024xf32, #tpu.memory_space<hbm>> -> memref<16x1024xf32, #tpu.memory_space<hbm>>
            %dma_start3A_699 = arith.constant 0 : i32
            %dma_start3A_700 = tpu.memref_slice %arg5[%select_n3A, %add3A_667, %dma_start3A_699] : memref<4x4096x1024xf32, #tpu.memory_space<hbm>> -> memref<1x16x1024xf32, #tpu.memory_space<hbm>>
            %dma_start3A_701 = tpu.memref_squeeze %dma_start3A_700 : memref<1x16x1024xf32, #tpu.memory_space<hbm>> -> memref<16x1024xf32, #tpu.memory_space<hbm>>
            tpu.enqueue_dma source(%dma_start3A_701 : memref<16x1024xf32, #tpu.memory_space<hbm>>) target(%arg10 : memref<16x1024xf32, #tpu.memory_space<vmem>>) target_semaphore(%run_scoped3A : memref<!tpu.dma_semaphore, #tpu.memory_space<semaphore_mem>>)
            %dma_wait3A_702 = arith.constant 0 : i32
            %dma_wait3A_703 = tpu.memref_slice %arg5[%select_n3A, %add3A_667, %dma_wait3A_702] : memref<4x4096x1024xf32, #tpu.memory_space<hbm>> -> memref<1x16x1024xf32, #tpu.memory_space<hbm>>
            %dma_wait3A_704 = tpu.memref_squeeze %dma_wait3A_703 : memref<1x16x1024xf32, #tpu.memory_space<hbm>> -> memref<16x1024xf32, #tpu.memory_space<hbm>>
            %dma_wait3A_705 = arith.constant 0 : i32
            %dma_wait3A_706 = tpu.memref_slice %arg5[%select_n3A, %add3A_667, %dma_wait3A_705] : memref<4x4096x1024xf32, #tpu.memory_space<hbm>> -> memref<1x16x1024xf32, #tpu.memory_space<hbm>>
            %dma_wait3A_707 = tpu.memref_squeeze %dma_wait3A_706 : memref<1x16x1024xf32, #tpu.memory_space<hbm>> -> memref<16x1024xf32, #tpu.memory_space<hbm>>
            tpu.wait_dma2 semaphore(%run_scoped3A : memref<!tpu.dma_semaphore, #tpu.memory_space<semaphore_mem>>) src(%dma_wait3A_707 : memref<16x1024xf32, #tpu.memory_space<hbm>>) dst(%arg10 : memref<16x1024xf32, #tpu.memory_space<vmem>>)
            tpu.yield
          }) : () -> ()
          %scan3A_689 = arith.constant 0 : i32
          %scan3A_690 = arith.constant 0 : i32
          %scan3A_691 = arith.constant 16 : i32
          %scan3A_692 = arith.addi %scan3A_690, %scan3A_691 : i32
          %scan3A_693 = arith.constant 1 : i32
          %scan3A_694 = scf.for %scan3A_696 = %scan3A_690 to %scan3A_692 step %scan3A_693 iter_args(%scan3A_697 = %scan3A_689) -> (i32)  : i32 {
            %eq3A_698 = vector.broadcast %scan3A_696 : i32 to vector<16xi32>
            %eq3A_699 = arith.cmpi eq, %iota3A, %eq3A_698 : vector<16xi32>
            %jit3A_700 = arith.constant 0 : i32
            %broadcast_in_dim3A_701 = vector.broadcast %jit3A_700 : i32 to vector<16xi32>
            %select_n3A_702 = arith.select %eq3A_699, %select_n3A_678, %broadcast_in_dim3A_701 : vector<16xi1>, vector<16xi32>
            %reduce_sum3A_703 = arith.constant true
            %reduce_sum3A_704 = vector.broadcast %reduce_sum3A_703 : i1 to vector<16xi1>
            %reduce_sum3A_705 = tpu.scan <sum>, %select_n3A_702 masked %reduce_sum3A_704 : vector<16xi32>, vector<16xi1> -> vector<16xi32>
            %reduce_sum3A_706 = vector.extract %reduce_sum3A_705[15] : i32 from vector<16xi32>
            %ne3A_707 = arith.constant 0 : i32
            %ne3A_708 = arith.cmpi ne, %reduce_sum3A_706, %ne3A_707 : i32
            %convert_element_type3A_709 = arith.extui %ne3A_708 : i1 to i32
            %cond3A_710 = arith.constant 0 : i32
            %cond3A_711 = arith.cmpi ne, %convert_element_type3A_709, %cond3A_710 : i32
            scf.if %cond3A_711 {
              %scan3A_713 = arith.constant 0 : i32
              %scan3A_714 = arith.constant 0 : i32
              %scan3A_715 = arith.constant 64 : i32
              %scan3A_716 = arith.addi %scan3A_714, %scan3A_715 : i32
              %scan3A_717 = arith.constant 1 : i32
              %scan3A_718 = scf.for %scan3A_720 = %scan3A_714 to %scan3A_716 step %scan3A_717 iter_args(%scan3A_721 = %scan3A_713) -> (i32)  : i32 {
                %mul3A_722 = arith.constant 16 : i32
                %mul3A_723 = arith.muli %scan3A_720, %mul3A_722 : i32
                %get3A_724 = arith.constant 1 : i32
                %get3A_725 = arith.index_cast %get3A_724 : i32 to index
                %get3A_726 = arith.index_cast %mul3A_723 : i32 to index
                %get3A_727 = tpu.vector_load %arg9[%get3A_725, %get3A_726] {strides = array<i32>} : memref<8x1024xf32, #tpu.memory_space<vmem>>, vector<16xf32>,
                %mul3A_728 = arith.constant 16 : i32
                %mul3A_729 = arith.muli %scan3A_720, %mul3A_728 : i32
                %swap3A = arith.index_cast %scan3A_696 : i32 to index
                %swap3A_730 = arith.index_cast %mul3A_729 : i32 to index
                %swap3A_731 = tpu.vector_load %arg10[%swap3A, %swap3A_730] {strides = array<i32>} : memref<16x1024xf32, #tpu.memory_space<vmem>>, vector<16xf32>,
                tpu.vector_store %arg10[%swap3A, %swap3A_730], %get3A_727 {strides = array<i32>} : memref<16x1024xf32, #tpu.memory_space<vmem>>, vector<16xf32>,
                %scan3A_732 = arith.constant 0 : i32
                scf.yield %scan3A_732 : i32
              }
              %scan3A_719 = arith.constant 64 : i32
            } else {
            }
            %scan3A_712 = arith.constant 0 : i32
            scf.yield %scan3A_712 : i32
          }
          %scan3A_695 = arith.constant 16 : i32
          "tpu.region"() ({
            %run_scoped3A = tpu.sem_alloc : memref<!tpu.dma_semaphore, #tpu.memory_space<semaphore_mem>>
            %dma_start3A_696 = arith.constant 0 : i32
            %dma_start3A_697 = tpu.memref_slice %arg5[%select_n3A, %add3A_667, %dma_start3A_696] : memref<4x4096x1024xf32, #tpu.memory_space<hbm>> -> memref<1x16x1024xf32, #tpu.memory_space<hbm>>
            %dma_start3A_698 = tpu.memref_squeeze %dma_start3A_697 : memref<1x16x1024xf32, #tpu.memory_space<hbm>> -> memref<16x1024xf32, #tpu.memory_space<hbm>>
            %dma_start3A_699 = arith.constant 0 : i32
            %dma_start3A_700 = tpu.memref_slice %arg5[%select_n3A, %add3A_667, %dma_start3A_699] : memref<4x4096x1024xf32, #tpu.memory_space<hbm>> -> memref<1x16x1024xf32, #tpu.memory_space<hbm>>
            %dma_start3A_701 = tpu.memref_squeeze %dma_start3A_700 : memref<1x16x1024xf32, #tpu.memory_space<hbm>> -> memref<16x1024xf32, #tpu.memory_space<hbm>>
            tpu.enqueue_dma source(%arg10 : memref<16x1024xf32, #tpu.memory_space<vmem>>) target(%dma_start3A_701 : memref<16x1024xf32, #tpu.memory_space<hbm>>) target_semaphore(%run_scoped3A : memref<!tpu.dma_semaphore, #tpu.memory_space<semaphore_mem>>)
            %dma_wait3A_702 = arith.constant 0 : i32
            %dma_wait3A_703 = tpu.memref_slice %arg5[%select_n3A, %add3A_667, %dma_wait3A_702] : memref<4x4096x1024xf32, #tpu.memory_space<hbm>> -> memref<1x16x1024xf32, #tpu.memory_space<hbm>>
            %dma_wait3A_704 = tpu.memref_squeeze %dma_wait3A_703 : memref<1x16x1024xf32, #tpu.memory_space<hbm>> -> memref<16x1024xf32, #tpu.memory_space<hbm>>
            %dma_wait3A_705 = arith.constant 0 : i32
            %dma_wait3A_706 = tpu.memref_slice %arg5[%select_n3A, %add3A_667, %dma_wait3A_705] : memref<4x4096x1024xf32, #tpu.memory_space<hbm>> -> memref<1x16x1024xf32, #tpu.memory_space<hbm>>
            %dma_wait3A_707 = tpu.memref_squeeze %dma_wait3A_706 : memref<1x16x1024xf32, #tpu.memory_space<hbm>> -> memref<16x1024xf32, #tpu.memory_space<hbm>>
            tpu.wait_dma2 semaphore(%run_scoped3A : memref<!tpu.dma_semaphore, #tpu.memory_space<semaphore_mem>>) src(%arg10 : memref<16x1024xf32, #tpu.memory_space<vmem>>) dst(%dma_wait3A_707 : memref<16x1024xf32, #tpu.memory_space<hbm>>)
            tpu.yield
          }) : () -> ()
        } else {
        }
        %scan3A_688 = arith.constant 0 : i32
        scf.yield %scan3A_688 : i32
      }
      %scan3A_642 = arith.constant 32 : i32
    } else {
    }
    return
  }
}

</mosaic_0001>

<sc_bundles>
// kernel: kernel.3.cloned.1.call-start
scs
__scs_entry_jumppad:
0x0: {  	(pc) =	sbr.rel $0x88, $3  }
0x1: {  	(tag) =	ssettag $0x0;
	lr =	simm.s32 $0x1  }
0x2: {  	[smem:$0x3F9F] =	sst lr;
	_ =	strace $0xD0000000  }
0x3: {  	_ = 	snop  }
0x4: {  	_ = 	snop  }
0x5: {  	_ = 	snop  }
0x6: {  	_ = 	snop  }
0x7: {  	_ = 	snop  }
__scs_overlays_trampoline_lowered:
0x8: {  	[smem:$0x3FAE] =	sst s0  }
0x9: {  	[smem:$0x3FAF] =	sst s1  }
0xa: {  	[smem:$0x3FB0] =	sst s2  }
0xb: {  	[smem:$0x3FB1] =	sst s3  }
0xc: {  	[smem:$0x3FB2] =	sst s4  }
0xd: {  	[smem:$0x3FB3] =	sst s5  }
0xe: {  	[smem:$0x3FB4] =	sst s6  }
0xf: {  	[smem:$0x3FB5] =	sst s7  }
0x10: {  	[smem:$0x3FB6] =	sst s8  }
0x11: {  	[smem:$0x3FB7] =	sst s9;
	s0 =	simm.s32 @!p0 $0x0  }
0x12: {  	s1 =	sld [smem:$0x3F9D];
	s0 =	simm.s32 @p0 $0x1  }
0x13: {  	[smem:$0x3FB8] =	sst s0;
	s0 =	simm.s32 @!p1 $0x0  }
0x14: {  	s2 =	sld [smem:$0x3F9C];
	s0 =	simm.s32 @p1 $0x1  }
0x15: {  	[smem:$0x3FB9] =	sst s0;
	s0 =	simm.s32 @!p2 $0x0  }
0x16: {  	s3 =	sld [smem:$0x3FDB];
	s0 =	simm.s32 @p2 $0x1  }
0x17: {  	s4 =	simm.s32 $0x1BF5;
	[smem:$0x3FBB] =	sst s0  }
0x18: {  	s0 =	sld [smem:$0x3F9E];
	_ =	swait.ge [sflag:s4], $0x0  }
0x19: {  	s7 =	sld [smem:$0x3F9F]  }
0x1a: {  	s8 =	sadd.s32 $0xFFFFE003, lr  }
0x1b: {  	s9 =	sadd.s32 $0xFFFFFEF7, lr;
	s5 =	simm.s32 $0xFFFFFFFF;
	p2 =	slt.u32 s8, $0xFFFFF086  }
0x1c: {  	p1 =	slt.u32 s9, $0xF7A;
	s5 =	simm.s32 @!p2 $0x0  }
0x1d: {  	s5 =	simm.s32 @p1 $0x1;
	p0 =	seq.s32 s7, s2  }
0x1e: {  	s7 =	smul.u32 @!p0 $0xF7A, s2;
	p2 =	seq.s32 @!p0 s5, $0x0  }
0x1f: {  	s9 =	smul.u32 $0xF7A, s1;
	s8 =	simm.s32 @!p0 $0x1BF5;
	p2 =	por !p2, p0  }
0x20: {  	[sflag:s8] =	ssyncset.s32 @!p0 $0xFFFFF086;
	s6 =	sadd.s32 @!p0 s3, s7;
	s7 =	simm.s32 @!p0 $0x108  }
0x21: {  	s3 =	sadd.s32 s3, s9;
	s6 =	sadd.s32 @!p0 $0x88, s6;
	s7 =	simm.s32 @p2 $0x1082  }
0x22: {  	[simem:s7], [sflag:s8] =	dma.local @!p0 [hbm:s6], $0xF7A  }
0x23: {  	s9 =	sor.u32 $0xD0000000, s2;
	s6 =	simm.s32 $0x108;
	_ =	swait.ge @!p0 [sflag:s8], $0x0  }
0x24: {  	s3 =	sadd.s32 $0x88, s3;
	s6 =	simm.s32 @!p1 $0x1082;
	[sflag:s4] =	ssyncset.s32 $0xFFFFF086  }
0x25: {  	[simem:s6], [sflag:s4] =	dma.local [hbm:s3], $0xF7A  }
0x26: {  	[smem:$0x3F9F] =	sst s1;
	(tag) =	ssettag s2;
	_ =	strace s9  }
0x27: {  	s1 =	sld [smem:$0x3FAF]  }
0x28: {  	s2 =	sld [smem:$0x3FB0]  }
0x29: {  	s4 =	sld [smem:$0x3FB2]  }
0x2a: {  	p0 =	seq.s32 s5, $0x0;
	s5 =	sld [smem:$0x3FB3]  }
0x2b: {  	s6 =	sld [smem:$0x3FB4]  }
0x2c: {  	s7 =	sld [smem:$0x3FB5]  }
0x2d: {  	s3 =	simm.s32 $0x108;
	s8 =	sld [smem:$0x3FB6]  }
0x2e: {  	s3 =	simm.s32 @!p0 $0x1082;
	s9 =	sld [smem:$0x3FB7]  }
0x2f: {  	lr =	sadd.s32 s0, s3;
	s0 =	sld [smem:$0x3FAE]  }
0x30: {  	s3 =	sld [smem:$0x3FB1]  }
0x31: {  	[smem:$0x3FBA] =	sst s10  }
0x32: {  	s10 =	sld [smem:$0x3FB8];
	_ =	sdelay $0x3  }
0x33: {  	p0 =	seq.s32 s10, $0x1;
	s10 =	sld [smem:$0x3FBA];
	_ =	sdelay $0x3  }
0x34: {  	[smem:$0x3FBA] =	sst s10  }
0x35: {  	s10 =	sld [smem:$0x3FB9];
	_ =	sdelay $0x3  }
0x36: {  	p1 =	seq.s32 s10, $0x1;
	s10 =	sld [smem:$0x3FBA];
	_ =	sdelay $0x3  }
0x37: {  	[smem:$0x3FBA] =	sst s10  }
0x38: {  	s10 =	sld [smem:$0x3FBB]  }
0x39: {  	_ = 	snop;
	(pc) =	sbr.ind lr, $3  }
0x3a: {  	_ = 	snop  }
0x3b: {  	_ = 	snop  }
0x3c: {  	p2 =	seq.s32 s10, $0x1;
	s10 =	sld [smem:$0x3FBA]  }
0x3d: {  	_ =	shalt  }
0x3e: {  	_ =	shalt  }
0x3f: {  	_ =	shalt  }
0x40: {  	_ =	shalt  }
0x41: {  	_ =	shalt  }
0x42: {  	_ =	shalt  }
0x43: {  	_ =	shalt  }
0x44: {  	_ =	shalt  }
0x45: {  	_ =	shalt  }
0x46: {  	_ =	shalt  }
0x47: {  	_ =	shalt  }
0x48: {  	_ =	shalt  }
0x49: {  	_ =	shalt  }
0x4a: {  	_ =	shalt  }
0x4b: {  	_ =	shalt  }
0x4c: {  	_ =	shalt  }
0x4d: {  	_ =	shalt  }
0x4e: {  	_ =	shalt  }
0x4f: {  	_ =	shalt  }
0x50: {  	_ =	shalt  }
0x51: {  	_ =	shalt  }
0x52: {  	_ =	shalt  }
0x53: {  	_ =	shalt  }
0x54: {  	_ =	shalt  }
0x55: {  	_ =	shalt  }
0x56: {  	_ =	shalt  }
0x57: {  	_ =	shalt  }
0x58: {  	_ =	shalt  }
0x59: {  	_ =	shalt  }
0x5a: {  	_ =	shalt  }
0x5b: {  	_ =	shalt  }
0x5c: {  	_ =	shalt  }
0x5d: {  	_ =	shalt  }
0x5e: {  	_ =	shalt  }
0x5f: {  	_ =	shalt  }
0x60: {  	_ =	shalt  }
0x61: {  	_ =	shalt  }
0x62: {  	_ =	shalt  }
0x63: {  	_ =	shalt  }
0x64: {  	_ =	shalt  }
0x65: {  	_ =	shalt  }
0x66: {  	_ =	shalt  }
0x67: {  	_ =	shalt  }
0x68: {  	_ =	shalt  }
0x69: {  	_ =	shalt  }
0x6a: {  	_ =	shalt  }
0x6b: {  	_ =	shalt  }
0x6c: {  	_ =	shalt  }
0x6d: {  	_ =	shalt  }
0x6e: {  	_ =	shalt  }
0x6f: {  	_ =	shalt  }
0x70: {  	_ =	shalt  }
0x71: {  	_ =	shalt  }
0x72: {  	_ =	shalt  }
0x73: {  	_ =	shalt  }
0x74: {  	_ =	shalt  }
0x75: {  	_ =	shalt  }
0x76: {  	_ =	shalt  }
0x77: {  	_ =	shalt  }
0x78: {  	_ =	shalt  }
0x79: {  	_ =	shalt  }
0x7a: {  	_ =	shalt  }
0x7b: {  	_ =	shalt  }
0x7c: {  	_ =	shalt  }
0x7d: {  	_ =	shalt  }
0x7e: {  	_ =	shalt  }
0x7f: {  	_ =	shalt  }
0x80: {  	_ =	shalt  }
0x81: {  	_ =	shalt  }
0x82: {  	_ =	shalt  }
0x83: {  	_ =	shalt  }
0x84: {  	_ =	shalt  }
0x85: {  	_ =	shalt  }
0x86: {  	_ =	shalt  }
0x87: {  	_ =	shalt  }
.Lfunc_end0:
.L_simem_size_0:
called_computation_lowered:
.L_overlay_start_0:
0x88: {  	s2 =	sld [smem:$0x3FD9]  }
0x89: {  	s3 =	sld [smem:$0x3FFE];
	_ =	sdelay $0x1  }
0x8a: {  	s1 =	srdreg.scid  }
0x8b: {  	s0 =	sand.u32 $0x1, s1  }
0x8c: {  	s17 =	sshll.u32 s0, $0xA;
	s2 =	sadd.s32 s3, s2  }
0x8d: {  	s2 =	sadd.s32 s2, s17  }
0x8e: {  	[smem:$0x3FC6] =	sst s2  }
0x8f: {  	_ = 	snop  }
0x90: {  	s2 =	sld [smem:$0x3FC9]  }
0x91: {  	s18 =	sld [smem:$0x3FC8]  }
0x92: {  	s4 =	sld [smem:$0x3FD0];
	(tm) =	ssettm $0x1  }
0x93: {  	s5 =	sld [smem:$0x3FFB];
	_ =	sdelay $0x3  }
0x94: {  	_ =	strace s5  }
0x95: {  	s5 =	sld [smem:$0x3FFC];
	_ =	sdelay $0x3  }
0x96: {  	_ =	strace s5  }
0x97: {  	s5 =	sld [smem:$0x3FFD];
	_ =	sdelay $0x3  }
0x98: {  	_ =	strace s5  }
0x99: {  	_ =	strace $0x8FFFFFFF  }
0x9a: {  	s19 =	sld [smem:$0x3FDB];
	_ =	sdelay $0x1  }
0x9b: {  	s6 =	simm.s32 $_scs_section_size  }
0x9c: {  	s7 =	simm.s32 $_size__tile_overlayer_lowered;
	s8 =	simm.s32 $_tile_overlayer_lowered  }
0x9d: {  	s22 =	simm.s32 $0x1BFF;
	s21 =	sshll.u32 s8, $0x1;
	s5 =	sadd.s32 s6, s19  }
0x9e: {  	s9 =	simm.s32 $0x0;
	s20 =	sshll.u32 s7, $0x1;
	s7 =	sadd.s32 s21, s5  }
0x9f: {  	[timem:s9], [sflag:s22] =	dma.local [hbm:s7], s20  }
0xa0: {  	_ =	swait.ge [sflag:s22], s20  }
0xa1: {  	s6 =	ssub.s32 $0x0, s20;
	[sflag:s22] =	ssyncset.done $0x0  }
0xa2: {  	[sflag:s22] =	ssyncadd.s32 s6;
	_ =	sdelay $0x1  }
0xa3: {  	s23 =	simm.s32 $0x1B8B  }
0xa4: {  	_ =	swait.ge [sflag:s23], $0x1  }
0xa5: {  	[sflag:s23] =	ssyncset.done $0x0  }
0xa6: {  	s25 =	simm.s32 $0x1B8E;
	s24 =	sld [smem:$0x3FFE];
	[sflag:s23] =	ssyncadd.s32 $0xFFFFFFFF  }
0xa7: {  	s26 =	simm.s32 $execute0_lowered;
	[smem:$0x3FD2] =	sst s25  }
0xa8: {  	s7 =	sshll.u32 s26, $0x1;
	_ =	strace $0x80000046;
	[dreg:$0x1] =	wrdreg $0xFFFFFFFF  }
0xa9: {  	s28 =	simm.s32 $_size_execute0_lowered;
	s5 =	sadd.s32 s5, s7;
	[dreg:$0x0] =	wrdreg $0x0  }
0xaa: {  	s7 =	sshll.u32 s28, $0x1;
	[dreg:$0x2] =	wrdreg s5  }
0xab: {  	[dreg:$0x3] =	wrdreg s7  }
0xac: {  	[dreg:$0x4] =	wrdreg $0xC0  }
0xad: {  	_ =	task [dreg:s9], $0x5FFFF  }
0xae: {  	[dreg:$0x1] =	wrdreg $0xFFFFFFFF  }
0xaf: {  	[dreg:$0x0] =	wrdreg $0x60  }
0xb0: {  	[dreg:$0x2] =	wrdreg s2  }
0xb1: {  	[dreg:$0x3] =	wrdreg s18  }
0xb2: {  	[dreg:$0x4] =	wrdreg s24  }
0xb3: {  	[dreg:$0x5] =	wrdreg s4  }
0xb4: {  	[dreg:$0x6] =	wrdreg $0x9  }
0xb5: {  	_ =	task.clear_ibuf [dreg:s9], $0x7FFFF;
	_ =	strace $0x90000046  }
0xb6: {  	s29 =	simm.s32 $0x9;
	_ =	strace $0x80000048  }
0xb7: {  	_ =	swait.ge [sflag:s29], $0x1  }
0xb8: {  	[sflag:s29] =	ssyncadd.s32 $0xFFFFFFFF  }
0xb9: {  	_ =	strace $0x90000048  }
0xba: {  	_ =	sfence  }
0xbb: {  	s30 =	sld [smem:$0x0];
	_ =	sdelay $0x2  }
0xbc: {  	s31 =	sshll.u32 s1, $0xD;
	s1 =	sshrl.u32 s1, $0x2  }
0xbd: {  	s3 =	sand.u32 $0x4000, s31;
	s1 =	sadd.s32 s1, s30  }
0xbe: {  	s0 =	sor.u32 s3, s0;
	s1 =	sshll.u32 s1, $0x11  }
0xbf: {  	s0 =	sor.u32 s1, s0  }
0xc0: {  	s0 =	sadd.s32 $0x8F2B, s0  }
0xc1: {  	[sflag:s0] =	ssyncadd.remote.s32 $0x1  }
0xc2: {  	_ =	sfence.sel $0xFFFF  }
0xc3: {  	[dreg:$0x0] =	wrdreg $0xFFFFFFFF;
	(pc) =	sbr.abs _section_cstart, $3  }
0xc4: {  	[dreg:$0x1] =	wrdreg $0xFFFFFFFF  }
0xc5: {  	_ =	task.clear_ibuf [dreg:s9], $0x2FFFF;
	_ =	strace $0x9FFFFFFF  }
0xc6: {  	(tm) =	ssettm $0x7FFFFFFF  }
0xc7: {  	_ =	shalt  }
tec
execute0_lowered:
.L_overlay_start_1:
0x0: {  	(tag) =	ssettag $0x1  }
0x1: {  	s0 =	rddreg [dreg:$0x0]  }
0x2: {  	s1 =	rddreg [dreg:$0x1]  }
0x3: {  	s2 =	srdreg.scid;
	s6 =	rddreg [dreg:$0x2]  }
0x4: {  	s4 =	stileid.u32;
	s3 =	rddreg [dreg:$0x3]  }
0x5: {  	s2 =	sand.u32 $0x1, s2;
	s5 =	sshll.u32 s4, $0x8;
	s4 =	simm.s32 $0x0  }
0x6: {  	s7 =	sshll.u32 s2, $0x7;
	[smem:$0x7FF] =	sst s4  }
0x7: {  	s2 =	ssub.s32 $0x2, s2;
	s5 =	sor.u32 s7, s5;
	_ =	strace $0x80000047  }
0x8: {  	s9 =	sshrl.u32 s2, $0x1;
	s7 =	sshrl.u32 s5, $0x3;
	s10 =	sshrl.u32 s5, $0x1  }
0x9: {  	s2 =	ssub.s32 s2, s9;
	s11 =	sshll.u32 s5, $0x7;
	s0 =	sadd.s32 s0, s10  }
0xa: {  	s6 =	sadd.s32 s7, s6;
	s24 =	smax.u32 s2, $0x1;
	[dreg:$0x6] =	wrdreg s0  }
0xb: {  	s11 =	sadd.s32 s3, s11;
	s6 =	sadd.s32 $0x400, s6;
	[dreg:$0x14] =	wrdreg s24  }
0xc: {  	s0 =	sadd.s32 $0x80000, s11;
	[dreg:$0x5] =	wrdreg s6  }
0xd: {  	s12 =	sadd.s32 $0x100000, s11;
	[dreg:$0x7] =	wrdreg s0  }
0xe: {  	s13 =	sadd.s32 $0x180000, s11;
	[dreg:$0x8] =	wrdreg s12  }
0xf: {  	s14 =	sadd.s32 $0x1000, s11;
	[dreg:$0x9] =	wrdreg s13  }
0x10: {  	s15 =	sadd.s32 $0x81000, s11;
	[dreg:$0xa] =	wrdreg s14  }
0x11: {  	s31 =	simm.s32 $0x1;
	s16 =	sadd.s32 $0x101000, s11;
	[dreg:$0xb] =	wrdreg s15  }
0x12: {  	s29 =	simm.s32 $0x4;
	s17 =	sadd.s32 $0x181000, s11;
	[dreg:$0xc] =	wrdreg s16  }
0x13: {  	s30 =	simm.s32 $0x7;
	s18 =	sadd.s32 $0x2000, s11;
	[dreg:$0xd] =	wrdreg s17  }
0x14: {  	s28 =	simm.s32 $0x6;
	s19 =	sadd.s32 $0x82000, s11;
	[dreg:$0xe] =	wrdreg s18  }
0x15: {  	s8 =	sadd.s32 $0x100, s1;
	s20 =	sadd.s32 $0x102000, s11;
	[dreg:$0xf] =	wrdreg s19  }
0x16: {  	s9 =	sadd.s32 $0x200, s1;
	s21 =	sadd.s32 $0x182000, s11;
	[dreg:$0x10] =	wrdreg s20  }
0x17: {  	s10 =	sadd.s32 $0x300, s1;
	s22 =	sadd.s32 $0x3000, s11;
	[dreg:$0x11] =	wrdreg s21  }
0x18: {  	s2 =	simm.s32 $0x280;
	s23 =	sadd.s32 $0x83000, s11;
	[dreg:$0x12] =	wrdreg s22  }
.Ltmp0:
0x19: {  	s25 =	sadd.s32 $0x103000, s11;
	[dreg:$0x13] =	wrdreg s23;
	(pc) =	sbr.rel .LBB2_1-.Ltmp0, $4  }
0x1a: {  	s26 =	sadd.s32 $0x183000, s11;
	s24 =	simm.s32 $0x10280;
	[dreg:$0x15] =	wrdreg s25  }
0x1b: {  	v0 =	vlaneseq.u32;
	[dreg:$0x16] =	wrdreg s26;
	s16 =	simm.s32 $0xA80;
	s21 =	simm.s32 $0x7A80  }
0x1c: {  	vm0 =	vmmov $0xffff;
	v4 =	vimm.s32 $0x0;
	v2 =	vshrl.u32 v0, $0x3;
	s22 =	simm.s32 $0x8280;
	s23 =	simm.s32 $0x5;
	s0 =	simm.s32 $0x2  }
0x1d: {  	v1 =	vand.u32 $0x7, v0;
	v3 =	vor.u32 $0x8, v0;
	v2 =	vmul.u32 $0x8, v2;
	s25 =	simm.s32 $0x3;
	s26 =	simm.s32 $0x1A280;
	s6 =	simm.s32 $0x0  }
.LBB2_14:
0x1e: {  	s6 =	sadd.s32 $0x1, s6;
	s7 =	rddreg [dreg:$0x14]  }
0x1f: {  	p0 =	sne.s32 s6, s7  }
.Ltmp1:
0x20: {  	_ = 	snop;
	(pc) =	sbr.rel @!p0 .LBB2_15-.Ltmp1, $2  }
0x21: {  	_ =	sdelay $0x2  }
0x22: {  	s16 =	simm.s32 $0xA80  }
.LBB2_1:
0x23: {  	s7 =	rddreg [dreg:$0x5];
	s12 =	simm.s32 $0x200  }
0x24: {  	[tilespmem:s12], [sflag:$0x1] =	stream.linear.gather [hbm4b:s7+s4], $0x80, $0x38;
	[tilespmem:$0x1E280] =	vst v63  }
0x25: {  	s13 =	rddreg [dreg:$0x6]  }
0x26: {  	[tilespmem:s4], [sflag:$0x5] =	stream.linear.gather [hbm4b:s13+s4], $0x200, $0x38;
	[tilespmem:$0x1E280] =	vst v63  }
0x27: {  	s14 =	simm.s32 $0x18280  }
0x28: {  	[tilespmem:s14], [sflag:$0x5] =	stream.linear.gather [hbm4b:s1+s4], $0x2000, $0x38;
	[tilespmem:$0x1E280] =	vst v63  }
0x29: {  	_ =	swait.ge [sflag:s31], $0x80  }
0x2a: {  	[sflag:s31] =	ssyncset.done $0x0  }
0x2b: {  	[sflag:s31] =	ssyncadd.s32 $0xFFFFFF80  }
0x2c: {  	v5 =	vld [tilespmem:$0x200];
	_ =	sdelay $0x4  }
0x2d: {  	v6 =	vshll.u32 v5, $0x3  }
0x2e: {  	v5 =	vand.u32 $0x7, v5;
	v6 =	vand.u32 $0xFFFFFFC0, v6  }
0x2f: {  	v5 =	vor.u32 v5, v6  }
0x30: {  	v6 =	vperm.xlane v5, v1;
	_ =	sdelay $0x1  }
0x31: {  	v6 =	vadd.s32 v2, v6;
	_ =	sdelay $0x4  }
0x32: {  	[tilespmem:s2], [sflag:$0x1] =	stream.indirect_vreg.gather [hbm4b:s1+s4], $0x80, v6, vm0, $0xb8;
	[tilespmem:$0x1E280] =	vst v63  }
0x33: {  	v5 =	vperm.xlane v5, v3  }
0x34: {  	[tilespmem:s16], [sflag:$0x1] =	stream.indirect_vreg.gather [hbm4b:s8+s4], $0x80, v6, vm0, $0xb8;
	[tilespmem:$0x1E280] =	vst v63  }
0x35: {  	s15 =	simm.s32 $0x1280;
	v5 =	vadd.s32 v2, v5  }
0x36: {  	[tilespmem:s15], [sflag:$0x1] =	stream.indirect_vreg.gather [hbm4b:s9+s4], $0x80, v6, vm0, $0xb8;
	[tilespmem:$0x1E280] =	vst v63  }
0x37: {  	s17 =	simm.s32 $0x1A80  }
0x38: {  	[tilespmem:s17], [sflag:$0x1] =	stream.indirect_vreg.gather [hbm4b:s10+s4], $0x80, v6, vm0, $0xb8;
	[tilespmem:$0x1E280] =	vst v63  }
0x39: {  	s18 =	simm.s32 $0x2280  }
0x3a: {  	[tilespmem:s18], [sflag:$0x1] =	stream.indirect_vreg.gather [hbm4b:s1+s4], $0x80, v5, vm0, $0xb8;
	[tilespmem:$0x1E280] =	vst v63  }
0x3b: {  	s19 =	simm.s32 $0x2A80  }
0x3c: {  	[tilespmem:s19], [sflag:$0x1] =	stream.indirect_vreg.gather [hbm4b:s8+s4], $0x80, v5, vm0, $0xb8;
	[tilespmem:$0x1E280] =	vst v63  }
0x3d: {  	s20 =	simm.s32 $0x3280  }
0x3e: {  	[tilespmem:s20], [sflag:$0x1] =	stream.indirect_vreg.gather [hbm4b:s9+s4], $0x80, v5, vm0, $0xb8;
	[tilespmem:$0x1E280] =	vst v63  }
0x3f: {  	s12 =	simm.s32 $0x3A80  }
0x40: {  	[tilespmem:s12], [sflag:$0x1] =	stream.indirect_vreg.gather [hbm4b:s10+s4], $0x80, v5, vm0, $0xb8;
	[tilespmem:$0x1E280] =	vst v63  }
0x41: {  	v5 =	vld [tilespmem:$0x210];
	_ =	sdelay $0x4  }
0x42: {  	v6 =	vshll.u32 v5, $0x3  }
0x43: {  	v5 =	vand.u32 $0x7, v5;
	v6 =	vand.u32 $0xFFFFFFC0, v6  }
0x44: {  	v5 =	vor.u32 v5, v6  }
0x45: {  	v6 =	vperm.xlane v5, v1;
	_ =	sdelay $0x1  }
0x46: {  	v6 =	vadd.s32 v2, v6;
	_ =	sdelay $0x3  }
0x47: {  	s13 =	simm.s32 $0x4280  }
0x48: {  	[tilespmem:s13], [sflag:$0x1] =	stream.indirect_vreg.gather [hbm4b:s1+s4], $0x80, v6, vm0, $0xb8;
	[tilespmem:$0x1E280] =	vst v63  }
0x49: {  	s14 =	simm.s32 $0x4A80;
	v5 =	vperm.xlane v5, v3  }
0x4a: {  	[tilespmem:s14], [sflag:$0x1] =	stream.indirect_vreg.gather [hbm4b:s8+s4], $0x80, v6, vm0, $0xb8;
	[tilespmem:$0x1E280] =	vst v63  }
0x4b: {  	s15 =	simm.s32 $0x5280;
	v5 =	vadd.s32 v2, v5  }
0x4c: {  	[tilespmem:s15], [sflag:$0x1] =	stream.indirect_vreg.gather [hbm4b:s9+s4], $0x80, v6, vm0, $0xb8;
	[tilespmem:$0x1E280] =	vst v63  }
0x4d: {  	s17 =	simm.s32 $0x5A80  }
0x4e: {  	[tilespmem:s17], [sflag:$0x1] =	stream.indirect_vreg.gather [hbm4b:s10+s4], $0x80, v6, vm0, $0xb8;
	[tilespmem:$0x1E280] =	vst v63  }
0x4f: {  	s18 =	simm.s32 $0x6280  }
0x50: {  	[tilespmem:s18], [sflag:$0x1] =	stream.indirect_vreg.gather [hbm4b:s1+s4], $0x80, v5, vm0, $0xb8;
	[tilespmem:$0x1E280] =	vst v63  }
0x51: {  	s19 =	simm.s32 $0x6A80  }
0x52: {  	[tilespmem:s19], [sflag:$0x1] =	stream.indirect_vreg.gather [hbm4b:s8+s4], $0x80, v5, vm0, $0xb8;
	[tilespmem:$0x1E280] =	vst v63  }
0x53: {  	s20 =	simm.s32 $0x7280  }
0x54: {  	[tilespmem:s20], [sflag:$0x1] =	stream.indirect_vreg.gather [hbm4b:s9+s4], $0x80, v5, vm0, $0xb8;
	[tilespmem:$0x1E280] =	vst v63  }
0x55: {  	_ = 	snop  }
0x56: {  	[tilespmem:s21], [sflag:$0x1] =	stream.indirect_vreg.gather [hbm4b:s10+s4], $0x80, v5, vm0, $0xb8;
	[tilespmem:$0x1E280] =	vst v63  }
0x57: {  	_ =	swait.ge [sflag:s31], $0x8000  }
0x58: {  	[sflag:s31] =	ssyncset.done $0x0  }
0x59: {  	[sflag:s31] =	ssyncadd.s32 $0xFFFF8000  }
0x5a: {  	v5 =	vld [tilespmem:$0x220];
	_ =	sdelay $0x4  }
0x5b: {  	v6 =	vshll.u32 v5, $0x3  }
0x5c: {  	v5 =	vand.u32 $0x7, v5;
	v6 =	vand.u32 $0xFFFFFFC0, v6  }
0x5d: {  	v5 =	vor.u32 v5, v6  }
0x5e: {  	v6 =	vperm.xlane v5, v1;
	_ =	sdelay $0x1  }
0x5f: {  	v6 =	vadd.s32 v2, v6;
	_ =	sdelay $0x4  }
0x60: {  	[tilespmem:s22], [sflag:$0x1] =	stream.indirect_vreg.gather [hbm4b:s1+s4], $0x80, v6, vm0, $0xb8;
	[tilespmem:$0x1E280] =	vst v63  }
0x61: {  	s12 =	simm.s32 $0x8A80;
	v5 =	vperm.xlane v5, v3  }
0x62: {  	[tilespmem:s12], [sflag:$0x1] =	stream.indirect_vreg.gather [hbm4b:s8+s4], $0x80, v6, vm0, $0xb8;
	[tilespmem:$0x1E280] =	vst v63  }
0x63: {  	s13 =	simm.s32 $0x9280;
	v5 =	vadd.s32 v2, v5  }
0x64: {  	[tilespmem:s13], [sflag:$0x1] =	stream.indirect_vreg.gather [hbm4b:s9+s4], $0x80, v6, vm0, $0xb8;
	[tilespmem:$0x1E280] =	vst v63  }
0x65: {  	s14 =	simm.s32 $0x9A80  }
0x66: {  	[tilespmem:s14], [sflag:$0x1] =	stream.indirect_vreg.gather [hbm4b:s10+s4], $0x80, v6, vm0, $0xb8;
	[tilespmem:$0x1E280] =	vst v63  }
0x67: {  	s15 =	simm.s32 $0xA280  }
0x68: {  	[tilespmem:s15], [sflag:$0x1] =	stream.indirect_vreg.gather [hbm4b:s1+s4], $0x80, v5, vm0, $0xb8;
	[tilespmem:$0x1E280] =	vst v63  }
0x69: {  	s17 =	simm.s32 $0xAA80  }
0x6a: {  	[tilespmem:s17], [sflag:$0x1] =	stream.indirect_vreg.gather [hbm4b:s8+s4], $0x80, v5, vm0, $0xb8;
	[tilespmem:$0x1E280] =	vst v63  }
0x6b: {  	s18 =	simm.s32 $0xB280  }
0x6c: {  	[tilespmem:s18], [sflag:$0x1] =	stream.indirect_vreg.gather [hbm4b:s9+s4], $0x80, v5, vm0, $0xb8;
	[tilespmem:$0x1E280] =	vst v63  }
0x6d: {  	s19 =	simm.s32 $0xBA80  }
0x6e: {  	[tilespmem:s19], [sflag:$0x1] =	stream.indirect_vreg.gather [hbm4b:s10+s4], $0x80, v5, vm0, $0xb8;
	[tilespmem:$0x1E280] =	vst v63  }
0x6f: {  	v5 =	vld [tilespmem:$0x230];
	_ =	sdelay $0x4  }
0x70: {  	v6 =	vshll.u32 v5, $0x3  }
0x71: {  	v5 =	vand.u32 $0x7, v5;
	v6 =	vand.u32 $0xFFFFFFC0, v6  }
0x72: {  	v5 =	vor.u32 v5, v6  }
0x73: {  	v6 =	vperm.xlane v5, v1;
	_ =	sdelay $0x1  }
0x74: {  	v6 =	vadd.s32 v2, v6;
	_ =	sdelay $0x3  }
0x75: {  	s20 =	simm.s32 $0xC280  }
0x76: {  	[tilespmem:s20], [sflag:$0x1] =	stream.indirect_vreg.gather [hbm4b:s1+s4], $0x80, v6, vm0, $0xb8;
	[tilespmem:$0x1E280] =	vst v63  }
0x77: {  	s12 =	simm.s32 $0xCA80;
	v5 =	vperm.xlane v5, v3  }
0x78: {  	[tilespmem:s12], [sflag:$0x1] =	stream.indirect_vreg.gather [hbm4b:s8+s4], $0x80, v6, vm0, $0xb8;
	[tilespmem:$0x1E280] =	vst v63  }
0x79: {  	s13 =	simm.s32 $0xD280;
	v5 =	vadd.s32 v2, v5  }
0x7a: {  	[tilespmem:s13], [sflag:$0x1] =	stream.indirect_vreg.gather [hbm4b:s9+s4], $0x80, v6, vm0, $0xb8;
	[tilespmem:$0x1E280] =	vst v63  }
0x7b: {  	s14 =	simm.s32 $0xDA80  }
0x7c: {  	[tilespmem:s14], [sflag:$0x1] =	stream.indirect_vreg.gather [hbm4b:s10+s4], $0x80, v6, vm0, $0xb8;
	[tilespmem:$0x1E280] =	vst v63  }
0x7d: {  	s15 =	simm.s32 $0xE280  }
0x7e: {  	[tilespmem:s15], [sflag:$0x1] =	stream.indirect_vreg.gather [hbm4b:s1+s4], $0x80, v5, vm0, $0xb8;
	[tilespmem:$0x1E280] =	vst v63  }
0x7f: {  	s17 =	simm.s32 $0xEA80  }
0x80: {  	[tilespmem:s17], [sflag:$0x1] =	stream.indirect_vreg.gather [hbm4b:s8+s4], $0x80, v5, vm0, $0xb8;
	[tilespmem:$0x1E280] =	vst v63  }
0x81: {  	s18 =	simm.s32 $0xF280  }
0x82: {  	[tilespmem:s18], [sflag:$0x1] =	stream.indirect_vreg.gather [hbm4b:s9+s4], $0x80, v5, vm0, $0xb8;
	[tilespmem:$0x1E280] =	vst v63  }
0x83: {  	s19 =	simm.s32 $0xFA80  }
0x84: {  	[tilespmem:s19], [sflag:$0x1] =	stream.indirect_vreg.gather [hbm4b:s10+s4], $0x80, v5, vm0, $0xb8;
	[tilespmem:$0x1E280] =	vst v63  }
0x85: {  	_ = 	snop  }
0x86: {  	[hbm4b:s11+s4] =	stream.linear.scatter [tilespmem:s2], [sflag:$0x2], $0x8000, $0x38;
	[tilespmem:$0x1E280] =	vst v63  }
0x87: {  	s20 =	rddreg [dreg:$0x7];
	s14 =	simm.s32 $0x0  }
0x88: {  	[hbm4b:s20+s4] =	stream.linear.scatter [tilespmem:s2], [sflag:$0x2], $0x8000, $0x38;
	[tilespmem:$0x1E280] =	vst v63  }
0x89: {  	s12 =	rddreg [dreg:$0x8];
	s15 =	sand.u32 $0xFFFFFF80, s14  }
0x8a: {  	[hbm4b:s12+s4] =	stream.linear.scatter [tilespmem:s2], [sflag:$0x2], $0x8000, $0x38;
	[tilespmem:$0x1E280] =	vst v63  }
0x8b: {  	s13 =	rddreg [dreg:$0x9];
	s12 =	ssub.s32 $0x0, s15  }
0x8c: {  	[hbm4b:s13+s4] =	stream.linear.scatter [tilespmem:s2], [sflag:$0x2], $0x8000, $0x38;
	[tilespmem:$0x1E280] =	vst v63  }
0x8d: {  	s7 =	sand.u32 $0x3FFFFF80, s14;
	s12 =	sand.u32 $0xFFFFFF80, s12;
	_ =	swait.ge [sflag:s23], $0x200  }
0x8e: {  	s13 =	sand.u32 $0x70, s4;
	s7 =	sadd.s32 s12, s7;
	[sflag:s23] =	ssyncset.done $0x0  }
0x8f: {  	s7 =	sor.u32 s13, s7;
	[sflag:s23] =	ssyncadd.s32 $0xFFFFFE00  }
0x90: {  	s17 =	simm.s32 $0x10;
	v5 =	vld [tilespmem:s7+$0x0]  }
0x91: {  	s18 =	sand.u32 $0xFFFFFF80, s17  }
0x92: {  	s19 =	ssub.s32 $0x10, s18  }
0x93: {  	s12 =	sand.u32 $0x3FFFFF80, s17;
	s13 =	sand.u32 $0xFFFFFF80, s19;
	s7 =	simm.s32 $0x10  }
0x94: {  	s12 =	sadd.s32 s13, s12;
	s20 =	sand.u32 $0x70, s7  }
0x95: {  	s13 =	sor.u32 s20, s12;
	s12 =	simm.s32 $0x2;
	vm1 =	veq.s32 v5, $0x1;
	v5 =	vimm.s32 $0x0  }
.LBB2_2:
0x96: {  	s14 =	sshll.u32 s12, $0x4;
	p0 =	sne.s32 s12, $0x1F;
	s12 =	sadd.s32 $0x1, s12;
	v6 =	vld [tilespmem:s13+$0x0];
	v7 =	vsel vm1, $0x1, v4  }
.Ltmp2:
0x97: {  	s7 =	sadd.s32 $0x10, s7;
	s13 =	sand.u32 $0xFFFFFF80, s14;
	v5 =	vadd.s32 v7, v5;
	(pc) =	sbr.rel @p0 .LBB2_2-.Ltmp2, $4  }
0x98: {  	s13 =	ssub.s32 s7, s13  }
0x99: {  	s14 =	sand.u32 $0x3FFFFF80, s14;
	s13 =	sand.u32 $0xFFFFFF80, s13  }
0x9a: {  	s15 =	sand.u32 $0x70, s7;
	s13 =	sadd.s32 s13, s14  }
0x9b: {  	s13 =	sor.u32 s15, s13;
	vm1 =	veq.s32 v6, $0x1  }
0x9c: {  	v6 =	vld [tilespmem:s13+$0x0];
	_ =	sdelay $0x4  }
0x9d: {  	v7 =	vsel vm1, $0x1, v4;
	vm1 =	veq.s32 v6, $0x1  }
0x9e: {  	v5 =	vadd.s32 v7, v5;
	v6 =	vsel vm1, $0x1, v4  }
0x9f: {  	v5 =	vadd.s32 v6, v5  }
0xa0: {  	(xrf0) =	vadd.scan.msk.s32 $0xffff, v5;
	_ =	sdelay $0x5  }
0xa1: {  	v5, _, _ =	vpop (xrf0)  }
0xa2: {  	(v2sf) =	vpush v5, $0xF;
	_ =	sdelay $0xe  }
0xa3: {  	s7 =	spop (v2sf)  }
0xa4: {  	_ =	swait.ge [sflag:s31], $0x8000  }
0xa5: {  	[sflag:s31] =	ssyncset.done $0x0  }
0xa6: {  	[sflag:s31] =	ssyncadd.s32 $0xFFFF8000  }
0xa7: {  	v5 =	vld [tilespmem:$0x240];
	_ =	sdelay $0x4  }
0xa8: {  	v6 =	vshll.u32 v5, $0x3  }
0xa9: {  	v5 =	vand.u32 $0x7, v5;
	v6 =	vand.u32 $0xFFFFFFC0, v6  }
0xaa: {  	v5 =	vor.u32 v5, v6  }
0xab: {  	v6 =	vperm.xlane v5, v1;
	_ =	sdelay $0x1  }
0xac: {  	v6 =	vadd.s32 v2, v6;
	_ =	sdelay $0x4  }
0xad: {  	[tilespmem:s24], [sflag:$0x1] =	stream.indirect_vreg.gather [hbm4b:s1+s4], $0x80, v6, vm0, $0xb8;
	[tilespmem:$0x1E280] =	vst v63  }
0xae: {  	s12 =	simm.s32 $0x10A80;
	v5 =	vperm.xlane v5, v3  }
0xaf: {  	[tilespmem:s12], [sflag:$0x1] =	stream.indirect_vreg.gather [hbm4b:s8+s4], $0x80, v6, vm0, $0xb8;
	[tilespmem:$0x1E280] =	vst v63  }
0xb0: {  	s20 =	simm.s32 $0x11280;
	v5 =	vadd.s32 v2, v5  }
0xb1: {  	[tilespmem:s20], [sflag:$0x1] =	stream.indirect_vreg.gather [hbm4b:s9+s4], $0x80, v6, vm0, $0xb8;
	[tilespmem:$0x1E280] =	vst v63  }
0xb2: {  	s13 =	simm.s32 $0x11A80  }
0xb3: {  	[tilespmem:s13], [sflag:$0x1] =	stream.indirect_vreg.gather [hbm4b:s10+s4], $0x80, v6, vm0, $0xb8;
	[tilespmem:$0x1E280] =	vst v63  }
0xb4: {  	s14 =	simm.s32 $0x12280  }
0xb5: {  	[tilespmem:s14], [sflag:$0x1] =	stream.indirect_vreg.gather [hbm4b:s1+s4], $0x80, v5, vm0, $0xb8;
	[tilespmem:$0x1E280] =	vst v63  }
0xb6: {  	s15 =	simm.s32 $0x12A80  }
0xb7: {  	[tilespmem:s15], [sflag:$0x1] =	stream.indirect_vreg.gather [hbm4b:s8+s4], $0x80, v5, vm0, $0xb8;
	[tilespmem:$0x1E280] =	vst v63  }
0xb8: {  	s17 =	simm.s32 $0x13280  }
0xb9: {  	[tilespmem:s17], [sflag:$0x1] =	stream.indirect_vreg.gather [hbm4b:s9+s4], $0x80, v5, vm0, $0xb8;
	[tilespmem:$0x1E280] =	vst v63  }
0xba: {  	s18 =	simm.s32 $0x13A80  }
0xbb: {  	[tilespmem:s18], [sflag:$0x1] =	stream.indirect_vreg.gather [hbm4b:s10+s4], $0x80, v5, vm0, $0xb8;
	[tilespmem:$0x1E280] =	vst v63  }
0xbc: {  	v5 =	vld [tilespmem:$0x250];
	_ =	sdelay $0x4  }
0xbd: {  	v6 =	vshll.u32 v5, $0x3  }
0xbe: {  	v5 =	vand.u32 $0x7, v5;
	v6 =	vand.u32 $0xFFFFFFC0, v6  }
0xbf: {  	v5 =	vor.u32 v5, v6  }
0xc0: {  	v6 =	vperm.xlane v5, v1;
	_ =	sdelay $0x1  }
0xc1: {  	v6 =	vadd.s32 v2, v6;
	_ =	sdelay $0x3  }
0xc2: {  	s19 =	simm.s32 $0x14280  }
0xc3: {  	[tilespmem:s19], [sflag:$0x1] =	stream.indirect_vreg.gather [hbm4b:s1+s4], $0x80, v6, vm0, $0xb8;
	[tilespmem:$0x1E280] =	vst v63  }
0xc4: {  	s20 =	simm.s32 $0x14A80;
	v5 =	vperm.xlane v5, v3  }
0xc5: {  	[tilespmem:s20], [sflag:$0x1] =	stream.indirect_vreg.gather [hbm4b:s8+s4], $0x80, v6, vm0, $0xb8;
	[tilespmem:$0x1E280] =	vst v63  }
0xc6: {  	s13 =	simm.s32 $0x15280;
	v5 =	vadd.s32 v2, v5  }
0xc7: {  	[tilespmem:s13], [sflag:$0x1] =	stream.indirect_vreg.gather [hbm4b:s9+s4], $0x80, v6, vm0, $0xb8;
	[tilespmem:$0x1E280] =	vst v63  }
0xc8: {  	s14 =	simm.s32 $0x15A80  }
0xc9: {  	[tilespmem:s14], [sflag:$0x1] =	stream.indirect_vreg.gather [hbm4b:s10+s4], $0x80, v6, vm0, $0xb8;
	[tilespmem:$0x1E280] =	vst v63  }
0xca: {  	s15 =	simm.s32 $0x16280  }
0xcb: {  	[tilespmem:s15], [sflag:$0x1] =	stream.indirect_vreg.gather [hbm4b:s1+s4], $0x80, v5, vm0, $0xb8;
	[tilespmem:$0x1E280] =	vst v63  }
0xcc: {  	s17 =	simm.s32 $0x16A80  }
0xcd: {  	[tilespmem:s17], [sflag:$0x1] =	stream.indirect_vreg.gather [hbm4b:s8+s4], $0x80, v5, vm0, $0xb8;
	[tilespmem:$0x1E280] =	vst v63  }
0xce: {  	s18 =	simm.s32 $0x17280  }
0xcf: {  	[tilespmem:s18], [sflag:$0x1] =	stream.indirect_vreg.gather [hbm4b:s9+s4], $0x80, v5, vm0, $0xb8;
	[tilespmem:$0x1E280] =	vst v63  }
0xd0: {  	s19 =	simm.s32 $0x17A80  }
0xd1: {  	[tilespmem:s19], [sflag:$0x1] =	stream.indirect_vreg.gather [hbm4b:s10+s4], $0x80, v5, vm0, $0xb8;
	[tilespmem:$0x1E280] =	vst v63  }
0xd2: {  	s20 =	rddreg [dreg:$0xa]  }
0xd3: {  	[hbm4b:s20+s4] =	stream.linear.scatter [tilespmem:s22], [sflag:$0x3], $0x8000, $0x38;
	[tilespmem:$0x1E280] =	vst v63  }
0xd4: {  	s13 =	rddreg [dreg:$0xb]  }
0xd5: {  	[hbm4b:s13+s4] =	stream.linear.scatter [tilespmem:s22], [sflag:$0x3], $0x8000, $0x38;
	[tilespmem:$0x1E280] =	vst v63  }
0xd6: {  	s14 =	rddreg [dreg:$0xc]  }
0xd7: {  	[hbm4b:s14+s4] =	stream.linear.scatter [tilespmem:s22], [sflag:$0x3], $0x8000, $0x38;
	[tilespmem:$0x1E280] =	vst v63  }
0xd8: {  	s15 =	rddreg [dreg:$0xd]  }
0xd9: {  	[hbm4b:s15+s4] =	stream.linear.scatter [tilespmem:s22], [sflag:$0x3], $0x8000, $0x38;
	[tilespmem:$0x1E280] =	vst v63  }
0xda: {  	_ =	swait.ge [sflag:s31], $0x8000  }
0xdb: {  	[sflag:s31] =	ssyncset.done $0x0  }
0xdc: {  	[sflag:s31] =	ssyncadd.s32 $0xFFFF8000  }
0xdd: {  	_ =	swait.ge [sflag:s0], $0x8000  }
0xde: {  	[sflag:s0] =	ssyncset.done $0x0  }
0xdf: {  	[sflag:s0] =	ssyncadd.s32 $0xFFFF8000  }
0xe0: {  	_ =	swait.ge [sflag:s0], $0x8000  }
0xe1: {  	[sflag:s0] =	ssyncset.done $0x0  }
0xe2: {  	[sflag:s0] =	ssyncadd.s32 $0xFFFF8000  }
0xe3: {  	_ =	swait.ge [sflag:s0], $0x8000  }
0xe4: {  	[sflag:s0] =	ssyncset.done $0x0  }
0xe5: {  	[sflag:s0] =	ssyncadd.s32 $0xFFFF8000  }
0xe6: {  	_ =	swait.ge [sflag:s0], $0x8000  }
0xe7: {  	[sflag:s0] =	ssyncset.done $0x0  }
0xe8: {  	[sflag:s0] =	ssyncadd.s32 $0xFFFF8000  }
0xe9: {  	v5 =	vld [tilespmem:$0x260];
	_ =	sdelay $0x4  }
0xea: {  	v6 =	vshll.u32 v5, $0x3  }
0xeb: {  	v5 =	vand.u32 $0x7, v5;
	v6 =	vand.u32 $0xFFFFFFC0, v6  }
0xec: {  	v5 =	vor.u32 v5, v6  }
0xed: {  	v6 =	vperm.xlane v5, v1;
	_ =	sdelay $0x1  }
0xee: {  	v6 =	vadd.s32 v2, v6;
	_ =	sdelay $0x4  }
0xef: {  	[tilespmem:s2], [sflag:$0x1] =	stream.indirect_vreg.gather [hbm4b:s1+s4], $0x80, v6, vm0, $0xb8;
	[tilespmem:$0x1E280] =	vst v63  }
0xf0: {  	v5 =	vperm.xlane v5, v3  }
0xf1: {  	[tilespmem:s16], [sflag:$0x1] =	stream.indirect_vreg.gather [hbm4b:s8+s4], $0x80, v6, vm0, $0xb8;
	[tilespmem:$0x1E280] =	vst v63  }
0xf2: {  	v5 =	vadd.s32 v2, v5;
	s16 =	simm.s32 $0x1280  }
0xf3: {  	[tilespmem:s16], [sflag:$0x1] =	stream.indirect_vreg.gather [hbm4b:s9+s4], $0x80, v6, vm0, $0xb8;
	[tilespmem:$0x1E280] =	vst v63  }
0xf4: {  	s17 =	simm.s32 $0x1A80  }
0xf5: {  	[tilespmem:s17], [sflag:$0x1] =	stream.indirect_vreg.gather [hbm4b:s10+s4], $0x80, v6, vm0, $0xb8;
	[tilespmem:$0x1E280] =	vst v63  }
0xf6: {  	s18 =	simm.s32 $0x2280  }
0xf7: {  	[tilespmem:s18], [sflag:$0x1] =	stream.indirect_vreg.gather [hbm4b:s1+s4], $0x80, v5, vm0, $0xb8;
	[tilespmem:$0x1E280] =	vst v63  }
0xf8: {  	s19 =	simm.s32 $0x2A80  }
0xf9: {  	[tilespmem:s19], [sflag:$0x1] =	stream.indirect_vreg.gather [hbm4b:s8+s4], $0x80, v5, vm0, $0xb8;
	[tilespmem:$0x1E280] =	vst v63  }
0xfa: {  	s20 =	simm.s32 $0x3280  }
0xfb: {  	[tilespmem:s20], [sflag:$0x1] =	stream.indirect_vreg.gather [hbm4b:s9+s4], $0x80, v5, vm0, $0xb8;
	[tilespmem:$0x1E280] =	vst v63  }
0xfc: {  	s13 =	simm.s32 $0x3A80  }
0xfd: {  	[tilespmem:s13], [sflag:$0x1] =	stream.indirect_vreg.gather [hbm4b:s10+s4], $0x80, v5, vm0, $0xb8;
	[tilespmem:$0x1E280] =	vst v63  }
0xfe: {  	v5 =	vld [tilespmem:$0x270];
	_ =	sdelay $0x4  }
0xff: {  	v6 =	vshll.u32 v5, $0x3  }
0x100: {  	v5 =	vand.u32 $0x7, v5;
	v6 =	vand.u32 $0xFFFFFFC0, v6  }
0x101: {  	v5 =	vor.u32 v5, v6  }
0x102: {  	v6 =	vperm.xlane v5, v1;
	_ =	sdelay $0x1  }
0x103: {  	v6 =	vadd.s32 v2, v6;
	_ =	sdelay $0x3  }
0x104: {  	s14 =	simm.s32 $0x4280  }
0x105: {  	[tilespmem:s14], [sflag:$0x1] =	stream.indirect_vreg.gather [hbm4b:s1+s4], $0x80, v6, vm0, $0xb8;
	[tilespmem:$0x1E280] =	vst v63  }
0x106: {  	s15 =	simm.s32 $0x4A80;
	v5 =	vperm.xlane v5, v3  }
0x107: {  	[tilespmem:s15], [sflag:$0x1] =	stream.indirect_vreg.gather [hbm4b:s8+s4], $0x80, v6, vm0, $0xb8;
	[tilespmem:$0x1E280] =	vst v63  }
0x108: {  	s16 =	simm.s32 $0x5280;
	v5 =	vadd.s32 v2, v5  }
0x109: {  	[tilespmem:s16], [sflag:$0x1] =	stream.indirect_vreg.gather [hbm4b:s9+s4], $0x80, v6, vm0, $0xb8;
	[tilespmem:$0x1E280] =	vst v63  }
0x10a: {  	s17 =	simm.s32 $0x5A80  }
0x10b: {  	[tilespmem:s17], [sflag:$0x1] =	stream.indirect_vreg.gather [hbm4b:s10+s4], $0x80, v6, vm0, $0xb8;
	[tilespmem:$0x1E280] =	vst v63  }
0x10c: {  	s18 =	simm.s32 $0x6280  }
0x10d: {  	[tilespmem:s18], [sflag:$0x1] =	stream.indirect_vreg.gather [hbm4b:s1+s4], $0x80, v5, vm0, $0xb8;
	[tilespmem:$0x1E280] =	vst v63  }
0x10e: {  	s19 =	simm.s32 $0x6A80  }
0x10f: {  	[tilespmem:s19], [sflag:$0x1] =	stream.indirect_vreg.gather [hbm4b:s8+s4], $0x80, v5, vm0, $0xb8;
	[tilespmem:$0x1E280] =	vst v63  }
0x110: {  	s20 =	simm.s32 $0x7280  }
0x111: {  	[tilespmem:s20], [sflag:$0x1] =	stream.indirect_vreg.gather [hbm4b:s9+s4], $0x80, v5, vm0, $0xb8;
	[tilespmem:$0x1E280] =	vst v63  }
0x112: {  	_ = 	snop  }
0x113: {  	[tilespmem:s21], [sflag:$0x1] =	stream.indirect_vreg.gather [hbm4b:s10+s4], $0x80, v5, vm0, $0xb8;
	[tilespmem:$0x1E280] =	vst v63  }
0x114: {  	s13 =	rddreg [dreg:$0xe]  }
0x115: {  	[hbm4b:s13+s4] =	stream.linear.scatter [tilespmem:s24], [sflag:$0x4], $0x8000, $0x38;
	[tilespmem:$0x1E280] =	vst v63  }
0x116: {  	s14 =	rddreg [dreg:$0xf]  }
0x117: {  	[hbm4b:s14+s4] =	stream.linear.scatter [tilespmem:s24], [sflag:$0x4], $0x8000, $0x38;
	[tilespmem:$0x1E280] =	vst v63  }
0x118: {  	s15 =	rddreg [dreg:$0x10]  }
0x119: {  	[hbm4b:s15+s4] =	stream.linear.scatter [tilespmem:s24], [sflag:$0x4], $0x8000, $0x38;
	[tilespmem:$0x1E280] =	vst v63  }
0x11a: {  	s16 =	rddreg [dreg:$0x11]  }
0x11b: {  	[hbm4b:s16+s4] =	stream.linear.scatter [tilespmem:s24], [sflag:$0x4], $0x8000, $0x38;
	[tilespmem:$0x1E280] =	vst v63  }
0x11c: {  	_ =	swait.ge [sflag:s31], $0x8000  }
0x11d: {  	[sflag:s31] =	ssyncset.done $0x0  }
0x11e: {  	s17 =	rddreg [dreg:$0x12];
	[sflag:s31] =	ssyncadd.s32 $0xFFFF8000  }
0x11f: {  	[hbm4b:s17+s4] =	stream.linear.scatter [tilespmem:s2], [sflag:$0x2], $0x8000, $0x38;
	[tilespmem:$0x1E280] =	vst v63  }
0x120: {  	s18 =	rddreg [dreg:$0x13]  }
0x121: {  	[hbm4b:s18+s4] =	stream.linear.scatter [tilespmem:s2], [sflag:$0x2], $0x8000, $0x38;
	[tilespmem:$0x1E280] =	vst v63  }
0x122: {  	s19 =	rddreg [dreg:$0x15]  }
0x123: {  	[hbm4b:s19+s4] =	stream.linear.scatter [tilespmem:s2], [sflag:$0x2], $0x8000, $0x38;
	[tilespmem:$0x1E280] =	vst v63  }
0x124: {  	s20 =	rddreg [dreg:$0x16]  }
0x125: {  	[hbm4b:s20+s4] =	stream.linear.scatter [tilespmem:s2], [sflag:$0x2], $0x8000, $0x38;
	[tilespmem:$0x1E280] =	vst v63  }
0x126: {  	_ =	swait.ge [sflag:s25], $0x8000  }
0x127: {  	[sflag:s25] =	ssyncset.done $0x0  }
0x128: {  	[sflag:s25] =	ssyncadd.s32 $0xFFFF8000  }
0x129: {  	_ =	swait.ge [sflag:s25], $0x8000  }
0x12a: {  	[sflag:s25] =	ssyncset.done $0x0  }
0x12b: {  	[sflag:s25] =	ssyncadd.s32 $0xFFFF8000  }
0x12c: {  	_ =	swait.ge [sflag:s25], $0x8000  }
0x12d: {  	[sflag:s25] =	ssyncset.done $0x0  }
0x12e: {  	[sflag:s25] =	ssyncadd.s32 $0xFFFF8000  }
0x12f: {  	_ =	swait.ge [sflag:s25], $0x8000  }
0x130: {  	[sflag:s25] =	ssyncset.done $0x0  }
0x131: {  	[sflag:s25] =	ssyncadd.s32 $0xFFFF8000  }
0x132: {  	_ =	swait.ge [sflag:s29], $0x8000  }
0x133: {  	[sflag:s29] =	ssyncset.done $0x0  }
0x134: {  	[sflag:s29] =	ssyncadd.s32 $0xFFFF8000  }
0x135: {  	_ =	swait.ge [sflag:s29], $0x8000  }
0x136: {  	[sflag:s29] =	ssyncset.done $0x0  }
0x137: {  	[sflag:s29] =	ssyncadd.s32 $0xFFFF8000  }
0x138: {  	_ =	swait.ge [sflag:s29], $0x8000  }
0x139: {  	[sflag:s29] =	ssyncset.done $0x0  }
0x13a: {  	[sflag:s29] =	ssyncadd.s32 $0xFFFF8000  }
0x13b: {  	_ =	swait.ge [sflag:s29], $0x8000  }
0x13c: {  	[sflag:s29] =	ssyncset.done $0x0  }
0x13d: {  	[sflag:s29] =	ssyncadd.s32 $0xFFFF8000  }
0x13e: {  	_ =	swait.ge [sflag:s0], $0x8000  }
0x13f: {  	[sflag:s0] =	ssyncset.done $0x0  }
0x140: {  	[sflag:s0] =	ssyncadd.s32 $0xFFFF8000  }
0x141: {  	_ =	swait.ge [sflag:s0], $0x8000  }
0x142: {  	[sflag:s0] =	ssyncset.done $0x0  }
0x143: {  	[sflag:s0] =	ssyncadd.s32 $0xFFFF8000  }
0x144: {  	_ =	swait.ge [sflag:s0], $0x8000  }
0x145: {  	[sflag:s0] =	ssyncset.done $0x0  }
0x146: {  	[sflag:s0] =	ssyncadd.s32 $0xFFFF8000  }
0x147: {  	p0 =	seq.s32 s7, $0x0;
	_ =	swait.ge [sflag:s0], $0x8000  }
.Ltmp3:
0x148: {  	[sflag:s0] =	ssyncset.done $0x0;
	(pc) =	sbr.rel @p0 .LBB2_14-.Ltmp3, $4  }
0x149: {  	[sflag:s0] =	ssyncadd.s32 $0xFFFF8000  }
0x14a: {  	_ =	swait.ge [sflag:s23], $0x2000  }
0x14b: {  	[sflag:s23] =	ssyncset.done $0x0  }
0x14c: {  	[sflag:s23] =	ssyncadd.s32 $0xFFFFE000  }
.Ltmp4:
0x14d: {  	(pc) =	sbr.rel .LBB2_5-.Ltmp4, $2  }
0x14e: {  	_ =	sdelay $0x2  }
0x14f: {  	s7 =	simm.s32 $0x0  }
.LBB2_12:
0x150: {  	[hbm4b:s12+s4] =	stream.linear.scatter [tilespmem:s26], [sflag:$0x6], $0x4000, $0x38;
	[tilespmem:$0x1E280] =	vst v63  }
0x151: {  	_ =	swait.ge [sflag:s28], $0x4000  }
0x152: {  	[sflag:s28] =	ssyncset.done $0x0  }
0x153: {  	[sflag:s28] =	ssyncadd.s32 $0xFFFFC000  }
.LBB2_13:
0x154: {  	s7 =	sadd.s32 $0x1, s7  }
0x155: {  	p0 =	sne.s32 s7, $0x20  }
.Ltmp5:
0x156: {  	_ = 	snop;
	(pc) =	sbr.rel @!p0 .LBB2_14-.Ltmp5, $1  }
0x157: {  	_ =	sdelay $0x3  }
.LBB2_5:
0x158: {  	s12 =	sshrl.u32 s7, $0x3  }
0x159: {  	s15 =	sshll.u32 s7, $0x4;
	s14 =	sshll.u32 s12, $0x7  }
0x15a: {  	s13 =	ssub.s32 s15, s14  }
0x15b: {  	s14 =	sand.u32 $0x3FFFFF80, s14;
	s16 =	sand.u32 $0xFFFFFF80, s13  }
0x15c: {  	s15 =	sand.u32 $0x70, s15;
	s14 =	sadd.s32 s16, s14  }
0x15d: {  	s14 =	sor.u32 s15, s14  }
0x15e: {  	v5 =	vld [tilespmem:s14+$0x0];
	_ =	sdelay $0x4  }
0x15f: {  	vm1 =	veq.s32 v5, $0x1  }
0x160: {  	v5 =	vsel vm1, $0x1, v4  }
0x161: {  	(xrf0) =	vadd.scan.msk.s32 $0xffff, v5;
	_ =	sdelay $0x5  }
0x162: {  	v6, _, _ =	vpop (xrf0)  }
0x163: {  	(v2sf) =	vpush v6, $0xF;
	_ =	sdelay $0xe  }
0x164: {  	s20 =	spop (v2sf)  }
0x165: {  	p0 =	seq.s32 s20, $0x0  }
.Ltmp6:
0x166: {  	_ = 	snop;
	(pc) =	sbr.rel @p0 .LBB2_13-.Ltmp6, $1  }
0x167: {  	_ =	sdelay $0x3  }
0x168: {  	s13 =	sadd.s32 s5, s13  }
0x169: {  	s12 =	sshll.u32 s12, $0x16;
	s13 =	sshll.u32 s13, $0xA  }
0x16a: {  	s12 =	sadd.s32 s12, s13  }
0x16b: {  	s12 =	sshrl.u32 s12, $0x3  }
.Ltmp7:
0x16c: {  	s13 =	simm.s32 $0x0;
	s12 =	sadd.s32 s3, s12;
	(pc) =	sbr.rel .LBB2_7-.Ltmp7, $4  }
0x16d: {  	[tilespmem:s26], [sflag:$0x7] =	stream.linear.gather [hbm4b:s12+s13], $0x4000, $0x38;
	[tilespmem:$0x1E280] =	vst v63  }
0x16e: {  	_ =	swait.ge [sflag:s30], $0x4000  }
0x16f: {  	[sflag:s30] =	ssyncset.done $0x0  }
0x170: {  	[sflag:s30] =	ssyncadd.s32 $0xFFFFC000  }
.LBB2_11:
0x171: {  	s13 =	sadd.s32 $0x1, s13  }
0x172: {  	p0 =	sne.s32 s13, $0x10  }
.Ltmp8:
0x173: {  	_ = 	snop;
	(pc) =	sbr.rel @!p0 .LBB2_12-.Ltmp8, $1  }
0x174: {  	_ =	sdelay $0x3  }
.LBB2_7:
0x175: {  	v6 =	vmov s13  }
0x176: {  	vm1 =	veq.s32 v6, v0  }
0x177: {  	v6 =	vnsel vm1, $0x0, v5  }
0x178: {  	(xrf0) =	vadd.scan.msk.s32 $0xffff, v6;
	_ =	sdelay $0x5  }
0x179: {  	v6, _, _ =	vpop (xrf0)  }
0x17a: {  	(v2sf) =	vpush v6, $0xF;
	_ =	sdelay $0xe  }
0x17b: {  	s14 =	spop (v2sf)  }
0x17c: {  	p0 =	seq.s32 s14, $0x0  }
.Ltmp9:
0x17d: {  	_ = 	snop;
	(pc) =	sbr.rel @p0 .LBB2_11-.Ltmp9, $1  }
0x17e: {  	_ =	sdelay $0x3  }
0x17f: {  	s14 =	sshll.u32 s13, $0xA;
	s19 =	sshll.u32 s13, $0x7;
	s17 =	simm.s32 $0x0  }
0x180: {  	s16 =	sand.u32 $0x2000, s14;
	s15 =	sand.u32 $0x70, s17;
	s14 =	sand.u32 $0x1C00, s17  }
0x181: {  	s18 =	sand.u32 $0x380, s19;
	s20 =	sor.u32 s15, s14  }
0x182: {  	s16 =	sor.u32 s18, s16;
	v6 =	vld [tilespmem:s20+$0x18300]  }
0x183: {  	s17 =	simm.s32 $0x10;
	s18 =	simm.s32 $0x80;
	s16 =	sadd.s32 $0x1A280, s16  }
.LBB2_9:
0x184: {  	s19 =	sand.u32 $0x70, s17  }
0x185: {  	s20 =	sadd.s32 s14, s16;
	s14 =	sand.u32 $0x1C00, s18;
	p0 =	sne.s32 s17, $0x3F0  }
.Ltmp10:
0x186: {  	s17 =	sadd.s32 $0x10, s17;
	s15 =	sadd.s32 s15, s20;
	(pc) =	sbr.rel @p0 .LBB2_9-.Ltmp10, $3  }
0x187: {  	s20 =	sor.u32 s19, s14;
	[tilespmem:s15+$0x0] =	vst v6;
	s15 =	smov.u32 s19  }
0x188: {  	v6 =	vld [tilespmem:s20+$0x18300];
	_ =	sdelay $0x1  }
0x189: {  	s18 =	sadd.s32 $0x80, s18  }
.Ltmp11:
0x18a: {  	(pc) =	sbr.rel .LBB2_11-.Ltmp11, $4  }
0x18b: {  	_ = 	snop  }
0x18c: {  	s14 =	sadd.s32 s14, s16  }
0x18d: {  	s14 =	sadd.s32 s15, s14  }
0x18e: {  	[tilespmem:s14+$0x0] =	vst v6  }
.LBB2_15:
0x18f: {  	_ =	sfence.sel $0x180000  }
0x190: {  	[bflag:$0x0] =	sbarrier.arrive $0xFFFF  }
0x191: {  	_ =	strace $0x90000047  }
0x192: {  	s0 =	stileid.u32;
	[bflag:$0x2] =	sbarrier.arrive $0xFFFF  }
0x193: {  	p0 =	sne.s32 s0, $0x0;
	s0 =	rddreg [dreg:$0x4]  }
0x194: {  	s0 =	sadd.s32 @!p0 $0x100000, s0  }
0x195: {  	[sflag:s0] =	ssyncadd.tile.s32 @!p0 $0x1;
	_ =	shalt  }
.Lfunc_end2:
_tile_overlayer_lowered:
.L_overlay_start_2:
0x196: {  	(tag) =	ssettag $0x2  }
0x197: {  	s0 =	rddreg [dreg:$0x0];
	s2 =	stileid.u32  }
0x198: {  	s1 =	rddreg [dreg:$0x1];
	p0 =	sne.s32 s2, $0x0  }
0x199: {  	s3 =	rddreg [dreg:$0x2];
	[bflag:$0x3] =	sbarrier.arrive $0xFFFF;
	s2 =	simm.s32 @!p0 $0x1C06  }
0x19a: {  	[timem:s3], [sflag:s2] =	dma.local @!p0 [hbm:s0], s1  }
0x19b: {  	s0 =	simm.s32 @!p0 $0x6  }
0x19c: {  	_ =	swait.ge @!p0 [sflag:s0], s1  }
0x19d: {  	s1 =	ssub.s32 @!p0 $0x0, s1;
	[sflag:s0] =	ssyncset.done @!p0 $0x0  }
0x19e: {  	[sflag:s0] =	ssyncadd.s32 @!p0 s1  }
0x19f: {  	[bflag:$0x3] =	sbarrier.arrive $0xFFFF  }
0x1a0: {  	_ =	shalt  }

</sc_bundles>
